<compile_context>
chip_gen: v7x
topology: tpu7x:2x2x1
jax: 0.10.2.dev20260603
libtpu: 0.0.44.dev20260713+nightly
codegen_flags: <defaults>
</compile_context>

<pallas_src>
import functools

import jax
import jax.numpy as jnp
from jax import lax
from jax.experimental import pallas as pl
from jax.experimental.pallas import tpu as pltpu
from jax.experimental.pallas import tpu_sc as plsc

D = 64
SCALE = 8.0
SUB = 128
GPC = 2
C = SUB * GPC
NBUF = 4


def _make_lookup(n_rows: int):
    info = plsc.get_sparse_core_info()
    nc, ns = info.num_cores, info.num_subcores
    nw = nc * ns
    per_w = n_rows // nw
    subs_per_w = per_w // SUB
    n_chunks = per_w // C

    mesh = plsc.VectorSubcoreMesh(core_axis_name="c", subcore_axis_name="s")

    @functools.partial(
        pl.kernel,
        out_type=jax.ShapeDtypeStruct((n_rows, D), jnp.float32),
        mesh=mesh,
        scratch_types=[
            pltpu.VMEM((subs_per_w, SUB), jnp.int32),
            pltpu.VMEM((NBUF, C, D), jnp.float32),
            pltpu.SemaphoreType.DMA((NBUF,)),
            pltpu.SemaphoreType.DMA((NBUF,)),
        ],
        compiler_params=pltpu.CompilerParams(use_tc_tiling_on_sc=False),
    )
    def lookup(idx_hbm, table_hbm, out_hbm, idx_v, bufs, gsem, ssem):
        wid = lax.axis_index("s") * nc + lax.axis_index("c")
        base = wid * per_w
        pltpu.sync_copy(idx_hbm.at[pl.ds(wid * subs_per_w, subs_per_w)], idx_v)

        def gather(g, b):
            return [
                pltpu.make_async_copy(
                    table_hbm.at[idx_v.at[g * GPC + j]],
                    bufs.at[b].at[pl.ds(j * SUB, SUB)],
                    gsem.at[b],
                )
                for j in range(GPC)
            ]

        def scatter(g, b):
            return pltpu.make_async_copy(
                bufs.at[b], out_hbm.at[pl.ds(base + g * C, C)], ssem.at[b]
            )

        for b in range(NBUF - 1):
            for cp in gather(b, b):
                cp.start()

        def outer(k, carry):
            g0 = k * NBUF
            for b in range(NBUF):
                g = g0 + b
                for cp in gather(g, b):
                    cp.wait()

                def scale_row(i, c2):
                    for t in range(D // 16):
                        sl = pl.ds(t * 16, 16)
                        bufs[b, i, sl] = bufs[b, i, sl] * SCALE
                    return c2

                lax.fori_loop(0, C, scale_row, None)
                scatter(g, b).start()

                pb = (b - 1) % NBUF

                @pl.when(g > 0)
                def _():
                    scatter(g - 1, pb).wait()

                @pl.when(g + NBUF - 1 < n_chunks)
                def _():
                    for cp in gather(g + NBUF - 1, pb):
                        cp.start()

            return carry

        lax.fori_loop(0, n_chunks // NBUF, outer, None)
        scatter(n_chunks - 1, (n_chunks - 1) % NBUF).wait()

    return lookup


def kernel(input_, table):
    l, b = input_.shape
    n = l * b
    idx2d = input_.reshape(n // SUB, SUB)
    out = _make_lookup(n)(idx2d, table)
    return out.reshape(l, b, D)

# --- scband reference (transcript-rebuilt; emitter-appended) ---
"""Pipeline reference for scband-standard-word-embedding-26852135534729 (READ-ONLY COPY).

The authoritative reference and input builder live on the scoring server;
editing this copy changes nothing except your own understanding.
"""

import jax, jax.numpy as jnp
import numpy as np

NUM_EMBEDDINGS = 1000000
EMBEDDING_DIM = 64
L, B = 200, 4096


def setup_inputs(seed: int = 0) -> dict:
    key = jax.random.key(seed)
    k_idx, k_tab = jax.random.split(key)
    input_ = jax.random.randint(k_idx, (L, B), 0, NUM_EMBEDDINGS, dtype=jnp.int32)
    # Embedding table parameter, initialized like nn.Embedding (N(0,1))
    table = jax.random.normal(k_tab, (NUM_EMBEDDINGS, EMBEDDING_DIM), dtype=jnp.float32)
    return {"input_": input_, "table": table}


def reference(input_, table):
    # StandardWordEmbedding.forward: embedding lookup scaled by sqrt(d_model)
    scale = EMBEDDING_DIM ** 0.5
    emb = jnp.take(table, input_, axis=0)  # (L, B, d_model)
    return emb * scale

if __name__ == "__main__":
    import jax
    _d = setup_inputs()
    print(jax.jit(kernel)(*tuple(_d.values())))

</pallas_src>

<mosaic_0001>
#map = affine_map<(d0, d1) -> (0, 0)>
module attributes {stable_mosaic.version = 14 : i64} {
  func.func @lookup(%arg0: i32, %arg1: i32, %arg2: memref<6400x128xi32, #tpu.memory_space<hbm>>, %arg3: memref<1000000x64xf32, #tpu.memory_space<hbm>>, %arg4: memref<819200x64xf32, #tpu.memory_space<hbm>>, %arg5: memref<200x128xi32, #tpu.memory_space<vmem>>, %arg6: memref<4x256x64xf32, #tpu.memory_space<vmem>>, %arg7: memref<4x!tpu.dma_semaphore, #tpu.memory_space<semaphore_mem>>, %arg8: memref<4x!tpu.dma_semaphore, #tpu.memory_space<semaphore_mem>>) attributes {dimension_semantics = [#tpu.dimension_semantics<core_parallel>, #tpu.dimension_semantics<subcore_parallel>], iteration_bounds = array<i64: 2, 16>, scalar_prefetch = 0 : i64, scratch_operands = 4 : i64, tpu.core_type = #tpu.core_type<sc_vector_subcore>, window_params = [{transform_indices = #map}, {transform_indices = #map}, {transform_indices = #map}]} {
    %mul3A = arith.constant 2 : i32
    %mul3A_0 = arith.muli %arg1, %mul3A : i32
    %add3A = arith.addi %mul3A_0, %arg0 : i32
    %mul3A_1 = arith.constant 25600 : i32
    %mul3A_2 = arith.muli %add3A, %mul3A_1 : i32
    %mul3A_3 = arith.constant 200 : i32
    %mul3A_4 = arith.muli %add3A, %mul3A_3 : i32
    "tpu.region"() ({
      %run_scoped3A = tpu.sem_alloc : memref<!tpu.dma_semaphore, #tpu.memory_space<semaphore_mem>>
      %dma_start3A_133 = arith.constant 0 : i32
      %dma_start3A_134 = tpu.memref_slice %arg2[%mul3A_4, %dma_start3A_133] : memref<6400x128xi32, #tpu.memory_space<hbm>> -> memref<200x128xi32, #tpu.memory_space<hbm>>
      %dma_start3A_135 = arith.constant 0 : i32
      %dma_start3A_136 = tpu.memref_slice %arg2[%mul3A_4, %dma_start3A_135] : memref<6400x128xi32, #tpu.memory_space<hbm>> -> memref<200x128xi32, #tpu.memory_space<hbm>>
      tpu.enqueue_dma source(%dma_start3A_136 : memref<200x128xi32, #tpu.memory_space<hbm>>) target(%arg5 : memref<200x128xi32, #tpu.memory_space<vmem>>) target_semaphore(%run_scoped3A : memref<!tpu.dma_semaphore, #tpu.memory_space<semaphore_mem>>)
      %dma_wait3A_137 = arith.constant 0 : i32
      %dma_wait3A_138 = tpu.memref_slice %arg2[%mul3A_4, %dma_wait3A_137] : memref<6400x128xi32, #tpu.memory_space<hbm>> -> memref<200x128xi32, #tpu.memory_space<hbm>>
      %dma_wait3A_139 = arith.constant 0 : i32
      %dma_wait3A_140 = tpu.memref_slice %arg2[%mul3A_4, %dma_wait3A_139] : memref<6400x128xi32, #tpu.memory_space<hbm>> -> memref<200x128xi32, #tpu.memory_space<hbm>>
      tpu.wait_dma2 semaphore(%run_scoped3A : memref<!tpu.dma_semaphore, #tpu.memory_space<semaphore_mem>>) src(%dma_wait3A_140 : memref<200x128xi32, #tpu.memory_space<hbm>>) dst(%arg5 : memref<200x128xi32, #tpu.memory_space<vmem>>)
      tpu.yield
    }) : () -> ()
    %dma_start3A = arith.constant 0 : i32
    %dma_start3A_5 = arith.constant 0 : i32
    %dma_start3A_6 = arith.constant 0 : i32
    %dma_start3A_7 = arith.constant 0 : i32
    %dma_start3A_8 = arith.constant 0 : i32
    %dma_start3A_9 = tpu.memref_slice %arg6[%dma_start3A_5, %dma_start3A_7, %dma_start3A_8] : memref<4x256x64xf32, #tpu.memory_space<vmem>> -> memref<1x256x64xf32, #tpu.memory_space<vmem>>
    %dma_start3A_10 = tpu.memref_squeeze %dma_start3A_9 : memref<1x256x64xf32, #tpu.memory_space<vmem>> -> memref<256x64xf32, #tpu.memory_space<vmem>>
    %dma_start3A_11 = arith.constant 0 : i32
    %dma_start3A_12 = arith.constant 0 : i32
    %dma_start3A_13 = tpu.memref_slice %dma_start3A_10[%dma_start3A_11, %dma_start3A_12] : memref<256x64xf32, #tpu.memory_space<vmem>> -> memref<128x64xf32, #tpu.memory_space<vmem>>
    %dma_start3A_14 = arith.constant 0 : i32
    %dma_start3A_15 = tpu.memref_slice %arg5[%dma_start3A, %dma_start3A_14] : memref<200x128xi32, #tpu.memory_space<vmem>> -> memref<1x128xi32, #tpu.memory_space<vmem>>
    %dma_start3A_16 = tpu.memref_squeeze %dma_start3A_15 : memref<1x128xi32, #tpu.memory_space<vmem>> -> memref<128xi32, #tpu.memory_space<vmem>>
    %dma_start3A_17 = arith.constant 0 : i32
    %dma_start3A_18 = arith.constant 0 : i32
    %dma_start3A_19 = tpu.memref_slice %arg3[%dma_start3A_17, %dma_start3A_18] : memref<1000000x64xf32, #tpu.memory_space<hbm>> -> memref<1000000x64xf32, #tpu.memory_space<hbm>>
    %dma_start3A_20 = tpu.memref_slice %arg7[%dma_start3A_6] : memref<4x!tpu.dma_semaphore, #tpu.memory_space<semaphore_mem>> -> memref<1x!tpu.dma_semaphore, #tpu.memory_space<semaphore_mem>>
    %dma_start3A_21 = tpu.memref_squeeze %dma_start3A_20 : memref<1x!tpu.dma_semaphore, #tpu.memory_space<semaphore_mem>> -> memref<!tpu.dma_semaphore, #tpu.memory_space<semaphore_mem>>
    tpu.enqueue_indirect_dma source(%dma_start3A_19 : memref<1000000x64xf32, #tpu.memory_space<hbm>>) target(%dma_start3A_13 : memref<128x64xf32, #tpu.memory_space<vmem>>) offsets(%dma_start3A_16 : memref<128xi32, #tpu.memory_space<vmem>>) semaphore(%dma_start3A_21 : memref<!tpu.dma_semaphore, #tpu.memory_space<semaphore_mem>>)
    %dma_start3A_22 = arith.constant 1 : i32
    %dma_start3A_23 = arith.constant 0 : i32
    %dma_start3A_24 = arith.constant 0 : i32
    %dma_start3A_25 = arith.constant 0 : i32
    %dma_start3A_26 = arith.constant 0 : i32
    %dma_start3A_27 = tpu.memref_slice %arg6[%dma_start3A_23, %dma_start3A_25, %dma_start3A_26] : memref<4x256x64xf32, #tpu.memory_space<vmem>> -> memref<1x256x64xf32, #tpu.memory_space<vmem>>
    %dma_start3A_28 = tpu.memref_squeeze %dma_start3A_27 : memref<1x256x64xf32, #tpu.memory_space<vmem>> -> memref<256x64xf32, #tpu.memory_space<vmem>>
    %dma_start3A_29 = arith.constant 128 : i32
    %dma_start3A_30 = arith.constant 0 : i32
    %dma_start3A_31 = tpu.memref_slice %dma_start3A_28[%dma_start3A_29, %dma_start3A_30] : memref<256x64xf32, #tpu.memory_space<vmem>> -> memref<128x64xf32, #tpu.memory_space<vmem>>
    %dma_start3A_32 = arith.constant 0 : i32
    %dma_start3A_33 = tpu.memref_slice %arg5[%dma_start3A_22, %dma_start3A_32] : memref<200x128xi32, #tpu.memory_space<vmem>> -> memref<1x128xi32, #tpu.memory_space<vmem>>
    %dma_start3A_34 = tpu.memref_squeeze %dma_start3A_33 : memref<1x128xi32, #tpu.memory_space<vmem>> -> memref<128xi32, #tpu.memory_space<vmem>>
    %dma_start3A_35 = arith.constant 0 : i32
    %dma_start3A_36 = arith.constant 0 : i32
    %dma_start3A_37 = tpu.memref_slice %arg3[%dma_start3A_35, %dma_start3A_36] : memref<1000000x64xf32, #tpu.memory_space<hbm>> -> memref<1000000x64xf32, #tpu.memory_space<hbm>>
    %dma_start3A_38 = tpu.memref_slice %arg7[%dma_start3A_24] : memref<4x!tpu.dma_semaphore, #tpu.memory_space<semaphore_mem>> -> memref<1x!tpu.dma_semaphore, #tpu.memory_space<semaphore_mem>>
    %dma_start3A_39 = tpu.memref_squeeze %dma_start3A_38 : memref<1x!tpu.dma_semaphore, #tpu.memory_space<semaphore_mem>> -> memref<!tpu.dma_semaphore, #tpu.memory_space<semaphore_mem>>
    tpu.enqueue_indirect_dma source(%dma_start3A_37 : memref<1000000x64xf32, #tpu.memory_space<hbm>>) target(%dma_start3A_31 : memref<128x64xf32, #tpu.memory_space<vmem>>) offsets(%dma_start3A_34 : memref<128xi32, #tpu.memory_space<vmem>>) semaphore(%dma_start3A_39 : memref<!tpu.dma_semaphore, #tpu.memory_space<semaphore_mem>>)
    %dma_start3A_40 = arith.constant 2 : i32
    %dma_start3A_41 = arith.constant 1 : i32
    %dma_start3A_42 = arith.constant 1 : i32
    %dma_start3A_43 = arith.constant 0 : i32
    %dma_start3A_44 = arith.constant 0 : i32
    %dma_start3A_45 = tpu.memref_slice %arg6[%dma_start3A_41, %dma_start3A_43, %dma_start3A_44] : memref<4x256x64xf32, #tpu.memory_space<vmem>> -> memref<1x256x64xf32, #tpu.memory_space<vmem>>
    %dma_start3A_46 = tpu.memref_squeeze %dma_start3A_45 : memref<1x256x64xf32, #tpu.memory_space<vmem>> -> memref<256x64xf32, #tpu.memory_space<vmem>>
    %dma_start3A_47 = arith.constant 0 : i32
    %dma_start3A_48 = arith.constant 0 : i32
    %dma_start3A_49 = tpu.memref_slice %dma_start3A_46[%dma_start3A_47, %dma_start3A_48] : memref<256x64xf32, #tpu.memory_space<vmem>> -> memref<128x64xf32, #tpu.memory_space<vmem>>
    %dma_start3A_50 = arith.constant 0 : i32
    %dma_start3A_51 = tpu.memref_slice %arg5[%dma_start3A_40, %dma_start3A_50] : memref<200x128xi32, #tpu.memory_space<vmem>> -> memref<1x128xi32, #tpu.memory_space<vmem>>
    %dma_start3A_52 = tpu.memref_squeeze %dma_start3A_51 : memref<1x128xi32, #tpu.memory_space<vmem>> -> memref<128xi32, #tpu.memory_space<vmem>>
    %dma_start3A_53 = arith.constant 0 : i32
    %dma_start3A_54 = arith.constant 0 : i32
    %dma_start3A_55 = tpu.memref_slice %arg3[%dma_start3A_53, %dma_start3A_54] : memref<1000000x64xf32, #tpu.memory_space<hbm>> -> memref<1000000x64xf32, #tpu.memory_space<hbm>>
    %dma_start3A_56 = tpu.memref_slice %arg7[%dma_start3A_42] : memref<4x!tpu.dma_semaphore, #tpu.memory_space<semaphore_mem>> -> memref<1x!tpu.dma_semaphore, #tpu.memory_space<semaphore_mem>>
    %dma_start3A_57 = tpu.memref_squeeze %dma_start3A_56 : memref<1x!tpu.dma_semaphore, #tpu.memory_space<semaphore_mem>> -> memref<!tpu.dma_semaphore, #tpu.memory_space<semaphore_mem>>
    tpu.enqueue_indirect_dma source(%dma_start3A_55 : memref<1000000x64xf32, #tpu.memory_space<hbm>>) target(%dma_start3A_49 : memref<128x64xf32, #tpu.memory_space<vmem>>) offsets(%dma_start3A_52 : memref<128xi32, #tpu.memory_space<vmem>>) semaphore(%dma_start3A_57 : memref<!tpu.dma_semaphore, #tpu.memory_space<semaphore_mem>>)
    %dma_start3A_58 = arith.constant 3 : i32
    %dma_start3A_59 = arith.constant 1 : i32
    %dma_start3A_60 = arith.constant 1 : i32
    %dma_start3A_61 = arith.constant 0 : i32
    %dma_start3A_62 = arith.constant 0 : i32
    %dma_start3A_63 = tpu.memref_slice %arg6[%dma_start3A_59, %dma_start3A_61, %dma_start3A_62] : memref<4x256x64xf32, #tpu.memory_space<vmem>> -> memref<1x256x64xf32, #tpu.memory_space<vmem>>
    %dma_start3A_64 = tpu.memref_squeeze %dma_start3A_63 : memref<1x256x64xf32, #tpu.memory_space<vmem>> -> memref<256x64xf32, #tpu.memory_space<vmem>>
    %dma_start3A_65 = arith.constant 128 : i32
    %dma_start3A_66 = arith.constant 0 : i32
    %dma_start3A_67 = tpu.memref_slice %dma_start3A_64[%dma_start3A_65, %dma_start3A_66] : memref<256x64xf32, #tpu.memory_space<vmem>> -> memref<128x64xf32, #tpu.memory_space<vmem>>
    %dma_start3A_68 = arith.constant 0 : i32
    %dma_start3A_69 = tpu.memref_slice %arg5[%dma_start3A_58, %dma_start3A_68] : memref<200x128xi32, #tpu.memory_space<vmem>> -> memref<1x128xi32, #tpu.memory_space<vmem>>
    %dma_start3A_70 = tpu.memref_squeeze %dma_start3A_69 : memref<1x128xi32, #tpu.memory_space<vmem>> -> memref<128xi32, #tpu.memory_space<vmem>>
    %dma_start3A_71 = arith.constant 0 : i32
    %dma_start3A_72 = arith.constant 0 : i32
    %dma_start3A_73 = tpu.memref_slice %arg3[%dma_start3A_71, %dma_start3A_72] : memref<1000000x64xf32, #tpu.memory_space<hbm>> -> memref<1000000x64xf32, #tpu.memory_space<hbm>>
    %dma_start3A_74 = tpu.memref_slice %arg7[%dma_start3A_60] : memref<4x!tpu.dma_semaphore, #tpu.memory_space<semaphore_mem>> -> memref<1x!tpu.dma_semaphore, #tpu.memory_space<semaphore_mem>>
    %dma_start3A_75 = tpu.memref_squeeze %dma_start3A_74 : memref<1x!tpu.dma_semaphore, #tpu.memory_space<semaphore_mem>> -> memref<!tpu.dma_semaphore, #tpu.memory_space<semaphore_mem>>
    tpu.enqueue_indirect_dma source(%dma_start3A_73 : memref<1000000x64xf32, #tpu.memory_space<hbm>>) target(%dma_start3A_67 : memref<128x64xf32, #tpu.memory_space<vmem>>) offsets(%dma_start3A_70 : memref<128xi32, #tpu.memory_space<vmem>>) semaphore(%dma_start3A_75 : memref<!tpu.dma_semaphore, #tpu.memory_space<semaphore_mem>>)
    %dma_start3A_76 = arith.constant 4 : i32
    %dma_start3A_77 = arith.constant 2 : i32
    %dma_start3A_78 = arith.constant 2 : i32
    %dma_start3A_79 = arith.constant 0 : i32
    %dma_start3A_80 = arith.constant 0 : i32
    %dma_start3A_81 = tpu.memref_slice %arg6[%dma_start3A_77, %dma_start3A_79, %dma_start3A_80] : memref<4x256x64xf32, #tpu.memory_space<vmem>> -> memref<1x256x64xf32, #tpu.memory_space<vmem>>
    %dma_start3A_82 = tpu.memref_squeeze %dma_start3A_81 : memref<1x256x64xf32, #tpu.memory_space<vmem>> -> memref<256x64xf32, #tpu.memory_space<vmem>>
    %dma_start3A_83 = arith.constant 0 : i32
    %dma_start3A_84 = arith.constant 0 : i32
    %dma_start3A_85 = tpu.memref_slice %dma_start3A_82[%dma_start3A_83, %dma_start3A_84] : memref<256x64xf32, #tpu.memory_space<vmem>> -> memref<128x64xf32, #tpu.memory_space<vmem>>
    %dma_start3A_86 = arith.constant 0 : i32
    %dma_start3A_87 = tpu.memref_slice %arg5[%dma_start3A_76, %dma_start3A_86] : memref<200x128xi32, #tpu.memory_space<vmem>> -> memref<1x128xi32, #tpu.memory_space<vmem>>
    %dma_start3A_88 = tpu.memref_squeeze %dma_start3A_87 : memref<1x128xi32, #tpu.memory_space<vmem>> -> memref<128xi32, #tpu.memory_space<vmem>>
    %dma_start3A_89 = arith.constant 0 : i32
    %dma_start3A_90 = arith.constant 0 : i32
    %dma_start3A_91 = tpu.memref_slice %arg3[%dma_start3A_89, %dma_start3A_90] : memref<1000000x64xf32, #tpu.memory_space<hbm>> -> memref<1000000x64xf32, #tpu.memory_space<hbm>>
    %dma_start3A_92 = tpu.memref_slice %arg7[%dma_start3A_78] : memref<4x!tpu.dma_semaphore, #tpu.memory_space<semaphore_mem>> -> memref<1x!tpu.dma_semaphore, #tpu.memory_space<semaphore_mem>>
    %dma_start3A_93 = tpu.memref_squeeze %dma_start3A_92 : memref<1x!tpu.dma_semaphore, #tpu.memory_space<semaphore_mem>> -> memref<!tpu.dma_semaphore, #tpu.memory_space<semaphore_mem>>
    tpu.enqueue_indirect_dma source(%dma_start3A_91 : memref<1000000x64xf32, #tpu.memory_space<hbm>>) target(%dma_start3A_85 : memref<128x64xf32, #tpu.memory_space<vmem>>) offsets(%dma_start3A_88 : memref<128xi32, #tpu.memory_space<vmem>>) semaphore(%dma_start3A_93 : memref<!tpu.dma_semaphore, #tpu.memory_space<semaphore_mem>>)
    %dma_start3A_94 = arith.constant 5 : i32
    %dma_start3A_95 = arith.constant 2 : i32
    %dma_start3A_96 = arith.constant 2 : i32
    %dma_start3A_97 = arith.constant 0 : i32
    %dma_start3A_98 = arith.constant 0 : i32
    %dma_start3A_99 = tpu.memref_slice %arg6[%dma_start3A_95, %dma_start3A_97, %dma_start3A_98] : memref<4x256x64xf32, #tpu.memory_space<vmem>> -> memref<1x256x64xf32, #tpu.memory_space<vmem>>
    %dma_start3A_100 = tpu.memref_squeeze %dma_start3A_99 : memref<1x256x64xf32, #tpu.memory_space<vmem>> -> memref<256x64xf32, #tpu.memory_space<vmem>>
    %dma_start3A_101 = arith.constant 128 : i32
    %dma_start3A_102 = arith.constant 0 : i32
    %dma_start3A_103 = tpu.memref_slice %dma_start3A_100[%dma_start3A_101, %dma_start3A_102] : memref<256x64xf32, #tpu.memory_space<vmem>> -> memref<128x64xf32, #tpu.memory_space<vmem>>
    %dma_start3A_104 = arith.constant 0 : i32
    %dma_start3A_105 = tpu.memref_slice %arg5[%dma_start3A_94, %dma_start3A_104] : memref<200x128xi32, #tpu.memory_space<vmem>> -> memref<1x128xi32, #tpu.memory_space<vmem>>
    %dma_start3A_106 = tpu.memref_squeeze %dma_start3A_105 : memref<1x128xi32, #tpu.memory_space<vmem>> -> memref<128xi32, #tpu.memory_space<vmem>>
    %dma_start3A_107 = arith.constant 0 : i32
    %dma_start3A_108 = arith.constant 0 : i32
    %dma_start3A_109 = tpu.memref_slice %arg3[%dma_start3A_107, %dma_start3A_108] : memref<1000000x64xf32, #tpu.memory_space<hbm>> -> memref<1000000x64xf32, #tpu.memory_space<hbm>>
    %dma_start3A_110 = tpu.memref_slice %arg7[%dma_start3A_96] : memref<4x!tpu.dma_semaphore, #tpu.memory_space<semaphore_mem>> -> memref<1x!tpu.dma_semaphore, #tpu.memory_space<semaphore_mem>>
    %dma_start3A_111 = tpu.memref_squeeze %dma_start3A_110 : memref<1x!tpu.dma_semaphore, #tpu.memory_space<semaphore_mem>> -> memref<!tpu.dma_semaphore, #tpu.memory_space<semaphore_mem>>
    tpu.enqueue_indirect_dma source(%dma_start3A_109 : memref<1000000x64xf32, #tpu.memory_space<hbm>>) target(%dma_start3A_103 : memref<128x64xf32, #tpu.memory_space<vmem>>) offsets(%dma_start3A_106 : memref<128xi32, #tpu.memory_space<vmem>>) semaphore(%dma_start3A_111 : memref<!tpu.dma_semaphore, #tpu.memory_space<semaphore_mem>>)
    %scan3A = arith.constant 0 : i32
    %scan3A_112 = arith.constant 25 : i32
    %scan3A_113 = arith.addi %scan3A, %scan3A_112 : i32
    %scan3A_114 = arith.constant 1 : i32
    scf.for %scan3A_133 = %scan3A to %scan3A_113 step %scan3A_114  : i32 {
      %mul3A_134 = arith.constant 4 : i32
      %mul3A_135 = arith.muli %scan3A_133, %mul3A_134 : i32
      %add3A_136 = arith.constant 0 : i32
      %add3A_137 = arith.addi %mul3A_135, %add3A_136 : i32
      %mul3A_138 = arith.constant 2 : i32
      %mul3A_139 = arith.muli %add3A_137, %mul3A_138 : i32
      %add3A_140 = arith.constant 0 : i32
      %add3A_141 = arith.addi %mul3A_139, %add3A_140 : i32
      %mul3A_142 = arith.constant 2 : i32
      %mul3A_143 = arith.muli %add3A_137, %mul3A_142 : i32
      %add3A_144 = arith.constant 1 : i32
      %add3A_145 = arith.addi %mul3A_143, %add3A_144 : i32
      %dma_wait3A_146 = arith.constant 0 : i32
      %dma_wait3A_147 = arith.constant 0 : i32
      %dma_wait3A_148 = arith.constant 0 : i32
      %dma_wait3A_149 = arith.constant 0 : i32
      %dma_wait3A_150 = tpu.memref_slice %arg6[%dma_wait3A_146, %dma_wait3A_148, %dma_wait3A_149] : memref<4x256x64xf32, #tpu.memory_space<vmem>> -> memref<1x256x64xf32, #tpu.memory_space<vmem>>
      %dma_wait3A_151 = tpu.memref_squeeze %dma_wait3A_150 : memref<1x256x64xf32, #tpu.memory_space<vmem>> -> memref<256x64xf32, #tpu.memory_space<vmem>>
      %dma_wait3A_152 = arith.constant 0 : i32
      %dma_wait3A_153 = arith.constant 0 : i32
      %dma_wait3A_154 = tpu.memref_slice %dma_wait3A_151[%dma_wait3A_152, %dma_wait3A_153] : memref<256x64xf32, #tpu.memory_space<vmem>> -> memref<128x64xf32, #tpu.memory_space<vmem>>
      %dma_wait3A_155 = arith.constant 0 : i32
      %dma_wait3A_156 = tpu.memref_slice %arg5[%add3A_141, %dma_wait3A_155] : memref<200x128xi32, #tpu.memory_space<vmem>> -> memref<1x128xi32, #tpu.memory_space<vmem>>
      %dma_wait3A_157 = tpu.memref_squeeze %dma_wait3A_156 : memref<1x128xi32, #tpu.memory_space<vmem>> -> memref<128xi32, #tpu.memory_space<vmem>>
      %dma_wait3A_158 = arith.constant 0 : i32
      %dma_wait3A_159 = arith.constant 0 : i32
      %dma_wait3A_160 = tpu.memref_slice %arg3[%dma_wait3A_158, %dma_wait3A_159] : memref<1000000x64xf32, #tpu.memory_space<hbm>> -> memref<1000000x64xf32, #tpu.memory_space<hbm>>
      %dma_wait3A_161 = tpu.memref_slice %arg7[%dma_wait3A_147] : memref<4x!tpu.dma_semaphore, #tpu.memory_space<semaphore_mem>> -> memref<1x!tpu.dma_semaphore, #tpu.memory_space<semaphore_mem>>
      %dma_wait3A_162 = tpu.memref_squeeze %dma_wait3A_161 : memref<1x!tpu.dma_semaphore, #tpu.memory_space<semaphore_mem>> -> memref<!tpu.dma_semaphore, #tpu.memory_space<semaphore_mem>>
      tpu.wait_indirect_dma semaphore(%dma_wait3A_162 : memref<!tpu.dma_semaphore, #tpu.memory_space<semaphore_mem>>) src(%dma_wait3A_160 : memref<1000000x64xf32, #tpu.memory_space<hbm>>) dst(%dma_wait3A_154 : memref<128x64xf32, #tpu.memory_space<vmem>>)
      %dma_wait3A_163 = arith.constant 0 : i32
      %dma_wait3A_164 = arith.constant 0 : i32
      %dma_wait3A_165 = arith.constant 0 : i32
      %dma_wait3A_166 = arith.constant 0 : i32
      %dma_wait3A_167 = tpu.memref_slice %arg6[%dma_wait3A_163, %dma_wait3A_165, %dma_wait3A_166] : memref<4x256x64xf32, #tpu.memory_space<vmem>> -> memref<1x256x64xf32, #tpu.memory_space<vmem>>
      %dma_wait3A_168 = tpu.memref_squeeze %dma_wait3A_167 : memref<1x256x64xf32, #tpu.memory_space<vmem>> -> memref<256x64xf32, #tpu.memory_space<vmem>>
      %dma_wait3A_169 = arith.constant 128 : i32
      %dma_wait3A_170 = arith.constant 0 : i32
      %dma_wait3A_171 = tpu.memref_slice %dma_wait3A_168[%dma_wait3A_169, %dma_wait3A_170] : memref<256x64xf32, #tpu.memory_space<vmem>> -> memref<128x64xf32, #tpu.memory_space<vmem>>
      %dma_wait3A_172 = arith.constant 0 : i32
      %dma_wait3A_173 = tpu.memref_slice %arg5[%add3A_145, %dma_wait3A_172] : memref<200x128xi32, #tpu.memory_space<vmem>> -> memref<1x128xi32, #tpu.memory_space<vmem>>
      %dma_wait3A_174 = tpu.memref_squeeze %dma_wait3A_173 : memref<1x128xi32, #tpu.memory_space<vmem>> -> memref<128xi32, #tpu.memory_space<vmem>>
      %dma_wait3A_175 = arith.constant 0 : i32
      %dma_wait3A_176 = arith.constant 0 : i32
      %dma_wait3A_177 = tpu.memref_slice %arg3[%dma_wait3A_175, %dma_wait3A_176] : memref<1000000x64xf32, #tpu.memory_space<hbm>> -> memref<1000000x64xf32, #tpu.memory_space<hbm>>
      %dma_wait3A_178 = tpu.memref_slice %arg7[%dma_wait3A_164] : memref<4x!tpu.dma_semaphore, #tpu.memory_space<semaphore_mem>> -> memref<1x!tpu.dma_semaphore, #tpu.memory_space<semaphore_mem>>
      %dma_wait3A_179 = tpu.memref_squeeze %dma_wait3A_178 : memref<1x!tpu.dma_semaphore, #tpu.memory_space<semaphore_mem>> -> memref<!tpu.dma_semaphore, #tpu.memory_space<semaphore_mem>>
      tpu.wait_indirect_dma semaphore(%dma_wait3A_179 : memref<!tpu.dma_semaphore, #tpu.memory_space<semaphore_mem>>) src(%dma_wait3A_177 : memref<1000000x64xf32, #tpu.memory_space<hbm>>) dst(%dma_wait3A_171 : memref<128x64xf32, #tpu.memory_space<vmem>>)
      %scan3A_180 = arith.constant 0 : i32
      %scan3A_181 = arith.constant 256 : i32
      %scan3A_182 = arith.addi %scan3A_180, %scan3A_181 : i32
      %scan3A_183 = arith.constant 1 : i32
      scf.for %scan3A_459 = %scan3A_180 to %scan3A_182 step %scan3A_183  : i32 {
        %get3A = arith.constant 0 : i32
        %get3A_460 = arith.index_cast %get3A : i32 to index
        %get3A_461 = arith.index_cast %scan3A_459 : i32 to index
        %get3A_462 = arith.constant 0 : index
        %get3A_463 = tpu.vector_load %arg6[%get3A_460, %get3A_461, %get3A_462] {strides = array<i32>} : memref<4x256x64xf32, #tpu.memory_space<vmem>>, vector<1x1x16xf32>,
        %get3A_464 = vector.shape_cast %get3A_463 : vector<1x1x16xf32> to vector<16xf32>
        %mul3A_465 = arith.constant 8.000000e+00 : f32
        %mul3A_466 = vector.broadcast %mul3A_465 : f32 to vector<16xf32>
        %mul3A_467 = arith.mulf %get3A_464, %mul3A_466 : vector<16xf32>
        %swap3A = arith.constant 0 : i32
        %swap3A_468 = arith.index_cast %swap3A : i32 to index
        %swap3A_469 = arith.index_cast %scan3A_459 : i32 to index
        %swap3A_470 = arith.constant 0 : index
        %swap3A_471 = tpu.vector_load %arg6[%swap3A_468, %swap3A_469, %swap3A_470] {strides = array<i32>} : memref<4x256x64xf32, #tpu.memory_space<vmem>>, vector<1x1x16xf32>,
        %swap3A_472 = vector.shape_cast %swap3A_471 : vector<1x1x16xf32> to vector<16xf32>
        %swap3A_473 = vector.shape_cast %mul3A_467 : vector<16xf32> to vector<1x1x16xf32>
        tpu.vector_store %arg6[%swap3A_468, %swap3A_469, %swap3A_470], %swap3A_473 {strides = array<i32>} : memref<4x256x64xf32, #tpu.memory_space<vmem>>, vector<1x1x16xf32>,
        %get3A_474 = arith.constant 0 : i32
        %get3A_475 = arith.index_cast %get3A_474 : i32 to index
        %get3A_476 = arith.index_cast %scan3A_459 : i32 to index
        %get3A_477 = arith.constant 16 : index
        %get3A_478 = tpu.vector_load %arg6[%get3A_475, %get3A_476, %get3A_477] {strides = array<i32>} : memref<4x256x64xf32, #tpu.memory_space<vmem>>, vector<1x1x16xf32>,
        %get3A_479 = vector.shape_cast %get3A_478 : vector<1x1x16xf32> to vector<16xf32>
        %mul3A_480 = arith.constant 8.000000e+00 : f32
        %mul3A_481 = vector.broadcast %mul3A_480 : f32 to vector<16xf32>
        %mul3A_482 = arith.mulf %get3A_479, %mul3A_481 : vector<16xf32>
        %swap3A_483 = arith.constant 0 : i32
        %swap3A_484 = arith.index_cast %swap3A_483 : i32 to index
        %swap3A_485 = arith.index_cast %scan3A_459 : i32 to index
        %swap3A_486 = arith.constant 16 : index
        %swap3A_487 = tpu.vector_load %arg6[%swap3A_484, %swap3A_485, %swap3A_486] {strides = array<i32>} : memref<4x256x64xf32, #tpu.memory_space<vmem>>, vector<1x1x16xf32>,
        %swap3A_488 = vector.shape_cast %swap3A_487 : vector<1x1x16xf32> to vector<16xf32>
        %swap3A_489 = vector.shape_cast %mul3A_482 : vector<16xf32> to vector<1x1x16xf32>
        tpu.vector_store %arg6[%swap3A_484, %swap3A_485, %swap3A_486], %swap3A_489 {strides = array<i32>} : memref<4x256x64xf32, #tpu.memory_space<vmem>>, vector<1x1x16xf32>,
        %get3A_490 = arith.constant 0 : i32
        %get3A_491 = arith.index_cast %get3A_490 : i32 to index
        %get3A_492 = arith.index_cast %scan3A_459 : i32 to index
        %get3A_493 = arith.constant 32 : index
        %get3A_494 = tpu.vector_load %arg6[%get3A_491, %get3A_492, %get3A_493] {strides = array<i32>} : memref<4x256x64xf32, #tpu.memory_space<vmem>>, vector<1x1x16xf32>,
        %get3A_495 = vector.shape_cast %get3A_494 : vector<1x1x16xf32> to vector<16xf32>
        %mul3A_496 = arith.constant 8.000000e+00 : f32
        %mul3A_497 = vector.broadcast %mul3A_496 : f32 to vector<16xf32>
        %mul3A_498 = arith.mulf %get3A_495, %mul3A_497 : vector<16xf32>
        %swap3A_499 = arith.constant 0 : i32
        %swap3A_500 = arith.index_cast %swap3A_499 : i32 to index
        %swap3A_501 = arith.index_cast %scan3A_459 : i32 to index
        %swap3A_502 = arith.constant 32 : index
        %swap3A_503 = tpu.vector_load %arg6[%swap3A_500, %swap3A_501, %swap3A_502] {strides = array<i32>} : memref<4x256x64xf32, #tpu.memory_space<vmem>>, vector<1x1x16xf32>,
        %swap3A_504 = vector.shape_cast %swap3A_503 : vector<1x1x16xf32> to vector<16xf32>
        %swap3A_505 = vector.shape_cast %mul3A_498 : vector<16xf32> to vector<1x1x16xf32>
        tpu.vector_store %arg6[%swap3A_500, %swap3A_501, %swap3A_502], %swap3A_505 {strides = array<i32>} : memref<4x256x64xf32, #tpu.memory_space<vmem>>, vector<1x1x16xf32>,
        %get3A_506 = arith.constant 0 : i32
        %get3A_507 = arith.index_cast %get3A_506 : i32 to index
        %get3A_508 = arith.index_cast %scan3A_459 : i32 to index
        %get3A_509 = arith.constant 48 : index
        %get3A_510 = tpu.vector_load %arg6[%get3A_507, %get3A_508, %get3A_509] {strides = array<i32>} : memref<4x256x64xf32, #tpu.memory_space<vmem>>, vector<1x1x16xf32>,
        %get3A_511 = vector.shape_cast %get3A_510 : vector<1x1x16xf32> to vector<16xf32>
        %mul3A_512 = arith.constant 8.000000e+00 : f32
        %mul3A_513 = vector.broadcast %mul3A_512 : f32 to vector<16xf32>
        %mul3A_514 = arith.mulf %get3A_511, %mul3A_513 : vector<16xf32>
        %swap3A_515 = arith.constant 0 : i32
        %swap3A_516 = arith.index_cast %swap3A_515 : i32 to index
        %swap3A_517 = arith.index_cast %scan3A_459 : i32 to index
        %swap3A_518 = arith.constant 48 : index
        %swap3A_519 = tpu.vector_load %arg6[%swap3A_516, %swap3A_517, %swap3A_518] {strides = array<i32>} : memref<4x256x64xf32, #tpu.memory_space<vmem>>, vector<1x1x16xf32>,
        %swap3A_520 = vector.shape_cast %swap3A_519 : vector<1x1x16xf32> to vector<16xf32>
        %swap3A_521 = vector.shape_cast %mul3A_514 : vector<16xf32> to vector<1x1x16xf32>
        tpu.vector_store %arg6[%swap3A_516, %swap3A_517, %swap3A_518], %swap3A_521 {strides = array<i32>} : memref<4x256x64xf32, #tpu.memory_space<vmem>>, vector<1x1x16xf32>,
      }
      %scan3A_184 = arith.constant 256 : i32
      %mul3A_185 = arith.constant 256 : i32
      %mul3A_186 = arith.muli %add3A_137, %mul3A_185 : i32
      %add3A_187 = arith.addi %mul3A_2, %mul3A_186 : i32
      %dma_start3A_188 = arith.constant 0 : i32
      %dma_start3A_189 = arith.constant 0 : i32
      %dma_start3A_190 = arith.constant 0 : i32
      %dma_start3A_191 = arith.constant 0 : i32
      %dma_start3A_192 = tpu.memref_slice %arg6[%dma_start3A_188, %dma_start3A_190, %dma_start3A_191] : memref<4x256x64xf32, #tpu.memory_space<vmem>> -> memref<1x256x64xf32, #tpu.memory_space<vmem>>
      %dma_start3A_193 = tpu.memref_squeeze %dma_start3A_192 : memref<1x256x64xf32, #tpu.memory_space<vmem>> -> memref<256x64xf32, #tpu.memory_space<vmem>>
      %dma_start3A_194 = arith.constant 0 : i32
      %dma_start3A_195 = tpu.memref_slice %arg4[%add3A_187, %dma_start3A_194] : memref<819200x64xf32, #tpu.memory_space<hbm>> -> memref<256x64xf32, #tpu.memory_space<hbm>>
      %dma_start3A_196 = tpu.memref_slice %arg8[%dma_start3A_189] : memref<4x!tpu.dma_semaphore, #tpu.memory_space<semaphore_mem>> -> memref<1x!tpu.dma_semaphore, #tpu.memory_space<semaphore_mem>>
      %dma_start3A_197 = tpu.memref_squeeze %dma_start3A_196 : memref<1x!tpu.dma_semaphore, #tpu.memory_space<semaphore_mem>> -> memref<!tpu.dma_semaphore, #tpu.memory_space<semaphore_mem>>
      %dma_start3A_198 = arith.constant 0 : i32
      %dma_start3A_199 = tpu.memref_slice %arg4[%add3A_187, %dma_start3A_198] : memref<819200x64xf32, #tpu.memory_space<hbm>> -> memref<256x64xf32, #tpu.memory_space<hbm>>
      %dma_start3A_200 = arith.constant 0 : i32
      %dma_start3A_201 = arith.constant 0 : i32
      %dma_start3A_202 = tpu.memref_slice %arg6[%dma_start3A_188, %dma_start3A_200, %dma_start3A_201] : memref<4x256x64xf32, #tpu.memory_space<vmem>> -> memref<1x256x64xf32, #tpu.memory_space<vmem>>
      %dma_start3A_203 = tpu.memref_squeeze %dma_start3A_202 : memref<1x256x64xf32, #tpu.memory_space<vmem>> -> memref<256x64xf32, #tpu.memory_space<vmem>>
      tpu.enqueue_dma source(%dma_start3A_203 : memref<256x64xf32, #tpu.memory_space<vmem>>) target(%dma_start3A_199 : memref<256x64xf32, #tpu.memory_space<hbm>>) target_semaphore(%dma_start3A_197 : memref<!tpu.dma_semaphore, #tpu.memory_space<semaphore_mem>>)
      %gt3A = arith.constant 0 : i32
      %gt3A_204 = arith.cmpi sgt, %add3A_137, %gt3A : i32
      %convert_element_type3A = arith.extui %gt3A_204 : i1 to i32
      %cond3A = arith.constant 0 : i32
      %cond3A_205 = arith.cmpi ne, %convert_element_type3A, %cond3A : i32
      scf.if %cond3A_205 {
        %sub3A_459 = arith.constant 1 : i32
        %sub3A_460 = arith.subi %add3A_137, %sub3A_459 : i32
        %mul3A_461 = arith.constant 256 : i32
        %mul3A_462 = arith.muli %sub3A_460, %mul3A_461 : i32
        %add3A_463 = arith.addi %mul3A_2, %mul3A_462 : i32
        %dma_wait3A_464 = arith.constant 3 : i32
        %dma_wait3A_465 = arith.constant 3 : i32
        %dma_wait3A_466 = arith.constant 0 : i32
        %dma_wait3A_467 = arith.constant 0 : i32
        %dma_wait3A_468 = tpu.memref_slice %arg6[%dma_wait3A_464, %dma_wait3A_466, %dma_wait3A_467] : memref<4x256x64xf32, #tpu.memory_space<vmem>> -> memref<1x256x64xf32, #tpu.memory_space<vmem>>
        %dma_wait3A_469 = tpu.memref_squeeze %dma_wait3A_468 : memref<1x256x64xf32, #tpu.memory_space<vmem>> -> memref<256x64xf32, #tpu.memory_space<vmem>>
        %dma_wait3A_470 = arith.constant 0 : i32
        %dma_wait3A_471 = tpu.memref_slice %arg4[%add3A_463, %dma_wait3A_470] : memref<819200x64xf32, #tpu.memory_space<hbm>> -> memref<256x64xf32, #tpu.memory_space<hbm>>
        %dma_wait3A_472 = tpu.memref_slice %arg8[%dma_wait3A_465] : memref<4x!tpu.dma_semaphore, #tpu.memory_space<semaphore_mem>> -> memref<1x!tpu.dma_semaphore, #tpu.memory_space<semaphore_mem>>
        %dma_wait3A_473 = tpu.memref_squeeze %dma_wait3A_472 : memref<1x!tpu.dma_semaphore, #tpu.memory_space<semaphore_mem>> -> memref<!tpu.dma_semaphore, #tpu.memory_space<semaphore_mem>>
        %dma_wait3A_474 = arith.constant 0 : i32
        %dma_wait3A_475 = tpu.memref_slice %arg4[%add3A_463, %dma_wait3A_474] : memref<819200x64xf32, #tpu.memory_space<hbm>> -> memref<256x64xf32, #tpu.memory_space<hbm>>
        %dma_wait3A_476 = arith.constant 0 : i32
        %dma_wait3A_477 = arith.constant 0 : i32
        %dma_wait3A_478 = tpu.memref_slice %arg6[%dma_wait3A_464, %dma_wait3A_476, %dma_wait3A_477] : memref<4x256x64xf32, #tpu.memory_space<vmem>> -> memref<1x256x64xf32, #tpu.memory_space<vmem>>
        %dma_wait3A_479 = tpu.memref_squeeze %dma_wait3A_478 : memref<1x256x64xf32, #tpu.memory_space<vmem>> -> memref<256x64xf32, #tpu.memory_space<vmem>>
        tpu.wait_dma2 semaphore(%dma_wait3A_473 : memref<!tpu.dma_semaphore, #tpu.memory_space<semaphore_mem>>) src(%dma_wait3A_479 : memref<256x64xf32, #tpu.memory_space<vmem>>) dst(%dma_wait3A_475 : memref<256x64xf32, #tpu.memory_space<hbm>>)
      } else {
      }
      %add3A_206 = arith.constant 4 : i32
      %add3A_207 = arith.addi %add3A_137, %add3A_206 : i32
      %sub3A = arith.constant 1 : i32
      %sub3A_208 = arith.subi %add3A_207, %sub3A : i32
      %lt3A = arith.constant 100 : i32
      %lt3A_209 = arith.cmpi slt, %sub3A_208, %lt3A : i32
      %convert_element_type3A_210 = arith.extui %lt3A_209 : i1 to i32
      %cond3A_211 = arith.constant 0 : i32
      %cond3A_212 = arith.cmpi ne, %convert_element_type3A_210, %cond3A_211 : i32
      scf.if %cond3A_212 {
        %add3A_459 = arith.constant 4 : i32
        %add3A_460 = arith.addi %add3A_137, %add3A_459 : i32
        %sub3A_461 = arith.constant 1 : i32
        %sub3A_462 = arith.subi %add3A_460, %sub3A_461 : i32
        %mul3A_463 = arith.constant 2 : i32
        %mul3A_464 = arith.muli %sub3A_462, %mul3A_463 : i32
        %add3A_465 = arith.constant 0 : i32
        %add3A_466 = arith.addi %mul3A_464, %add3A_465 : i32
        %mul3A_467 = arith.constant 2 : i32
        %mul3A_468 = arith.muli %sub3A_462, %mul3A_467 : i32
        %add3A_469 = arith.constant 1 : i32
        %add3A_470 = arith.addi %mul3A_468, %add3A_469 : i32
        %dma_start3A_471 = arith.constant 3 : i32
        %dma_start3A_472 = arith.constant 3 : i32
        %dma_start3A_473 = arith.constant 0 : i32
        %dma_start3A_474 = arith.constant 0 : i32
        %dma_start3A_475 = tpu.memref_slice %arg6[%dma_start3A_471, %dma_start3A_473, %dma_start3A_474] : memref<4x256x64xf32, #tpu.memory_space<vmem>> -> memref<1x256x64xf32, #tpu.memory_space<vmem>>
        %dma_start3A_476 = tpu.memref_squeeze %dma_start3A_475 : memref<1x256x64xf32, #tpu.memory_space<vmem>> -> memref<256x64xf32, #tpu.memory_space<vmem>>
        %dma_start3A_477 = arith.constant 0 : i32
        %dma_start3A_478 = arith.constant 0 : i32
        %dma_start3A_479 = tpu.memref_slice %dma_start3A_476[%dma_start3A_477, %dma_start3A_478] : memref<256x64xf32, #tpu.memory_space<vmem>> -> memref<128x64xf32, #tpu.memory_space<vmem>>
        %dma_start3A_480 = arith.constant 0 : i32
        %dma_start3A_481 = tpu.memref_slice %arg5[%add3A_466, %dma_start3A_480] : memref<200x128xi32, #tpu.memory_space<vmem>> -> memref<1x128xi32, #tpu.memory_space<vmem>>
        %dma_start3A_482 = tpu.memref_squeeze %dma_start3A_481 : memref<1x128xi32, #tpu.memory_space<vmem>> -> memref<128xi32, #tpu.memory_space<vmem>>
        %dma_start3A_483 = arith.constant 0 : i32
        %dma_start3A_484 = arith.constant 0 : i32
        %dma_start3A_485 = tpu.memref_slice %arg3[%dma_start3A_483, %dma_start3A_484] : memref<1000000x64xf32, #tpu.memory_space<hbm>> -> memref<1000000x64xf32, #tpu.memory_space<hbm>>
        %dma_start3A_486 = tpu.memref_slice %arg7[%dma_start3A_472] : memref<4x!tpu.dma_semaphore, #tpu.memory_space<semaphore_mem>> -> memref<1x!tpu.dma_semaphore, #tpu.memory_space<semaphore_mem>>
        %dma_start3A_487 = tpu.memref_squeeze %dma_start3A_486 : memref<1x!tpu.dma_semaphore, #tpu.memory_space<semaphore_mem>> -> memref<!tpu.dma_semaphore, #tpu.memory_space<semaphore_mem>>
        tpu.enqueue_indirect_dma source(%dma_start3A_485 : memref<1000000x64xf32, #tpu.memory_space<hbm>>) target(%dma_start3A_479 : memref<128x64xf32, #tpu.memory_space<vmem>>) offsets(%dma_start3A_482 : memref<128xi32, #tpu.memory_space<vmem>>) semaphore(%dma_start3A_487 : memref<!tpu.dma_semaphore, #tpu.memory_space<semaphore_mem>>)
        %dma_start3A_488 = arith.constant 3 : i32
        %dma_start3A_489 = arith.constant 3 : i32
        %dma_start3A_490 = arith.constant 0 : i32
        %dma_start3A_491 = arith.constant 0 : i32
        %dma_start3A_492 = tpu.memref_slice %arg6[%dma_start3A_488, %dma_start3A_490, %dma_start3A_491] : memref<4x256x64xf32, #tpu.memory_space<vmem>> -> memref<1x256x64xf32, #tpu.memory_space<vmem>>
        %dma_start3A_493 = tpu.memref_squeeze %dma_start3A_492 : memref<1x256x64xf32, #tpu.memory_space<vmem>> -> memref<256x64xf32, #tpu.memory_space<vmem>>
        %dma_start3A_494 = arith.constant 128 : i32
        %dma_start3A_495 = arith.constant 0 : i32
        %dma_start3A_496 = tpu.memref_slice %dma_start3A_493[%dma_start3A_494, %dma_start3A_495] : memref<256x64xf32, #tpu.memory_space<vmem>> -> memref<128x64xf32, #tpu.memory_space<vmem>>
        %dma_start3A_497 = arith.constant 0 : i32
        %dma_start3A_498 = tpu.memref_slice %arg5[%add3A_470, %dma_start3A_497] : memref<200x128xi32, #tpu.memory_space<vmem>> -> memref<1x128xi32, #tpu.memory_space<vmem>>
        %dma_start3A_499 = tpu.memref_squeeze %dma_start3A_498 : memref<1x128xi32, #tpu.memory_space<vmem>> -> memref<128xi32, #tpu.memory_space<vmem>>
        %dma_start3A_500 = arith.constant 0 : i32
        %dma_start3A_501 = arith.constant 0 : i32
        %dma_start3A_502 = tpu.memref_slice %arg3[%dma_start3A_500, %dma_start3A_501] : memref<1000000x64xf32, #tpu.memory_space<hbm>> -> memref<1000000x64xf32, #tpu.memory_space<hbm>>
        %dma_start3A_503 = tpu.memref_slice %arg7[%dma_start3A_489] : memref<4x!tpu.dma_semaphore, #tpu.memory_space<semaphore_mem>> -> memref<1x!tpu.dma_semaphore, #tpu.memory_space<semaphore_mem>>
        %dma_start3A_504 = tpu.memref_squeeze %dma_start3A_503 : memref<1x!tpu.dma_semaphore, #tpu.memory_space<semaphore_mem>> -> memref<!tpu.dma_semaphore, #tpu.memory_space<semaphore_mem>>
        tpu.enqueue_indirect_dma source(%dma_start3A_502 : memref<1000000x64xf32, #tpu.memory_space<hbm>>) target(%dma_start3A_496 : memref<128x64xf32, #tpu.memory_space<vmem>>) offsets(%dma_start3A_499 : memref<128xi32, #tpu.memory_space<vmem>>) semaphore(%dma_start3A_504 : memref<!tpu.dma_semaphore, #tpu.memory_space<semaphore_mem>>)
      } else {
      }
      %add3A_213 = arith.constant 1 : i32
      %add3A_214 = arith.addi %mul3A_135, %add3A_213 : i32
      %mul3A_215 = arith.constant 2 : i32
      %mul3A_216 = arith.muli %add3A_214, %mul3A_215 : i32
      %add3A_217 = arith.constant 0 : i32
      %add3A_218 = arith.addi %mul3A_216, %add3A_217 : i32
      %mul3A_219 = arith.constant 2 : i32
      %mul3A_220 = arith.muli %add3A_214, %mul3A_219 : i32
      %add3A_221 = arith.constant 1 : i32
      %add3A_222 = arith.addi %mul3A_220, %add3A_221 : i32
      %dma_wait3A_223 = arith.constant 1 : i32
      %dma_wait3A_224 = arith.constant 1 : i32
      %dma_wait3A_225 = arith.constant 0 : i32
      %dma_wait3A_226 = arith.constant 0 : i32
      %dma_wait3A_227 = tpu.memref_slice %arg6[%dma_wait3A_223, %dma_wait3A_225, %dma_wait3A_226] : memref<4x256x64xf32, #tpu.memory_space<vmem>> -> memref<1x256x64xf32, #tpu.memory_space<vmem>>
      %dma_wait3A_228 = tpu.memref_squeeze %dma_wait3A_227 : memref<1x256x64xf32, #tpu.memory_space<vmem>> -> memref<256x64xf32, #tpu.memory_space<vmem>>
      %dma_wait3A_229 = arith.constant 0 : i32
      %dma_wait3A_230 = arith.constant 0 : i32
      %dma_wait3A_231 = tpu.memref_slice %dma_wait3A_228[%dma_wait3A_229, %dma_wait3A_230] : memref<256x64xf32, #tpu.memory_space<vmem>> -> memref<128x64xf32, #tpu.memory_space<vmem>>
      %dma_wait3A_232 = arith.constant 0 : i32
      %dma_wait3A_233 = tpu.memref_slice %arg5[%add3A_218, %dma_wait3A_232] : memref<200x128xi32, #tpu.memory_space<vmem>> -> memref<1x128xi32, #tpu.memory_space<vmem>>
      %dma_wait3A_234 = tpu.memref_squeeze %dma_wait3A_233 : memref<1x128xi32, #tpu.memory_space<vmem>> -> memref<128xi32, #tpu.memory_space<vmem>>
      %dma_wait3A_235 = arith.constant 0 : i32
      %dma_wait3A_236 = arith.constant 0 : i32
      %dma_wait3A_237 = tpu.memref_slice %arg3[%dma_wait3A_235, %dma_wait3A_236] : memref<1000000x64xf32, #tpu.memory_space<hbm>> -> memref<1000000x64xf32, #tpu.memory_space<hbm>>
      %dma_wait3A_238 = tpu.memref_slice %arg7[%dma_wait3A_224] : memref<4x!tpu.dma_semaphore, #tpu.memory_space<semaphore_mem>> -> memref<1x!tpu.dma_semaphore, #tpu.memory_space<semaphore_mem>>
      %dma_wait3A_239 = tpu.memref_squeeze %dma_wait3A_238 : memref<1x!tpu.dma_semaphore, #tpu.memory_space<semaphore_mem>> -> memref<!tpu.dma_semaphore, #tpu.memory_space<semaphore_mem>>
      tpu.wait_indirect_dma semaphore(%dma_wait3A_239 : memref<!tpu.dma_semaphore, #tpu.memory_space<semaphore_mem>>) src(%dma_wait3A_237 : memref<1000000x64xf32, #tpu.memory_space<hbm>>) dst(%dma_wait3A_231 : memref<128x64xf32, #tpu.memory_space<vmem>>)
      %dma_wait3A_240 = arith.constant 1 : i32
      %dma_wait3A_241 = arith.constant 1 : i32
      %dma_wait3A_242 = arith.constant 0 : i32
      %dma_wait3A_243 = arith.constant 0 : i32
      %dma_wait3A_244 = tpu.memref_slice %arg6[%dma_wait3A_240, %dma_wait3A_242, %dma_wait3A_243] : memref<4x256x64xf32, #tpu.memory_space<vmem>> -> memref<1x256x64xf32, #tpu.memory_space<vmem>>
      %dma_wait3A_245 = tpu.memref_squeeze %dma_wait3A_244 : memref<1x256x64xf32, #tpu.memory_space<vmem>> -> memref<256x64xf32, #tpu.memory_space<vmem>>
      %dma_wait3A_246 = arith.constant 128 : i32
      %dma_wait3A_247 = arith.constant 0 : i32
      %dma_wait3A_248 = tpu.memref_slice %dma_wait3A_245[%dma_wait3A_246, %dma_wait3A_247] : memref<256x64xf32, #tpu.memory_space<vmem>> -> memref<128x64xf32, #tpu.memory_space<vmem>>
      %dma_wait3A_249 = arith.constant 0 : i32
      %dma_wait3A_250 = tpu.memref_slice %arg5[%add3A_222, %dma_wait3A_249] : memref<200x128xi32, #tpu.memory_space<vmem>> -> memref<1x128xi32, #tpu.memory_space<vmem>>
      %dma_wait3A_251 = tpu.memref_squeeze %dma_wait3A_250 : memref<1x128xi32, #tpu.memory_space<vmem>> -> memref<128xi32, #tpu.memory_space<vmem>>
      %dma_wait3A_252 = arith.constant 0 : i32
      %dma_wait3A_253 = arith.constant 0 : i32
      %dma_wait3A_254 = tpu.memref_slice %arg3[%dma_wait3A_252, %dma_wait3A_253] : memref<1000000x64xf32, #tpu.memory_space<hbm>> -> memref<1000000x64xf32, #tpu.memory_space<hbm>>
      %dma_wait3A_255 = tpu.memref_slice %arg7[%dma_wait3A_241] : memref<4x!tpu.dma_semaphore, #tpu.memory_space<semaphore_mem>> -> memref<1x!tpu.dma_semaphore, #tpu.memory_space<semaphore_mem>>
      %dma_wait3A_256 = tpu.memref_squeeze %dma_wait3A_255 : memref<1x!tpu.dma_semaphore, #tpu.memory_space<semaphore_mem>> -> memref<!tpu.dma_semaphore, #tpu.memory_space<semaphore_mem>>
      tpu.wait_indirect_dma semaphore(%dma_wait3A_256 : memref<!tpu.dma_semaphore, #tpu.memory_space<semaphore_mem>>) src(%dma_wait3A_254 : memref<1000000x64xf32, #tpu.memory_space<hbm>>) dst(%dma_wait3A_248 : memref<128x64xf32, #tpu.memory_space<vmem>>)
      %scan3A_257 = arith.constant 0 : i32
      %scan3A_258 = arith.constant 256 : i32
      %scan3A_259 = arith.addi %scan3A_257, %scan3A_258 : i32
      %scan3A_260 = arith.constant 1 : i32
      scf.for %scan3A_459 = %scan3A_257 to %scan3A_259 step %scan3A_260  : i32 {
        %get3A = arith.constant 1 : i32
        %get3A_460 = arith.index_cast %get3A : i32 to index
        %get3A_461 = arith.index_cast %scan3A_459 : i32 to index
        %get3A_462 = arith.constant 0 : index
        %get3A_463 = tpu.vector_load %arg6[%get3A_460, %get3A_461, %get3A_462] {strides = array<i32>} : memref<4x256x64xf32, #tpu.memory_space<vmem>>, vector<1x1x16xf32>,
        %get3A_464 = vector.shape_cast %get3A_463 : vector<1x1x16xf32> to vector<16xf32>
        %mul3A_465 = arith.constant 8.000000e+00 : f32
        %mul3A_466 = vector.broadcast %mul3A_465 : f32 to vector<16xf32>
        %mul3A_467 = arith.mulf %get3A_464, %mul3A_466 : vector<16xf32>
        %swap3A = arith.constant 1 : i32
        %swap3A_468 = arith.index_cast %swap3A : i32 to index
        %swap3A_469 = arith.index_cast %scan3A_459 : i32 to index
        %swap3A_470 = arith.constant 0 : index
        %swap3A_471 = tpu.vector_load %arg6[%swap3A_468, %swap3A_469, %swap3A_470] {strides = array<i32>} : memref<4x256x64xf32, #tpu.memory_space<vmem>>, vector<1x1x16xf32>,
        %swap3A_472 = vector.shape_cast %swap3A_471 : vector<1x1x16xf32> to vector<16xf32>
        %swap3A_473 = vector.shape_cast %mul3A_467 : vector<16xf32> to vector<1x1x16xf32>
        tpu.vector_store %arg6[%swap3A_468, %swap3A_469, %swap3A_470], %swap3A_473 {strides = array<i32>} : memref<4x256x64xf32, #tpu.memory_space<vmem>>, vector<1x1x16xf32>,
        %get3A_474 = arith.constant 1 : i32
        %get3A_475 = arith.index_cast %get3A_474 : i32 to index
        %get3A_476 = arith.index_cast %scan3A_459 : i32 to index
        %get3A_477 = arith.constant 16 : index
        %get3A_478 = tpu.vector_load %arg6[%get3A_475, %get3A_476, %get3A_477] {strides = array<i32>} : memref<4x256x64xf32, #tpu.memory_space<vmem>>, vector<1x1x16xf32>,
        %get3A_479 = vector.shape_cast %get3A_478 : vector<1x1x16xf32> to vector<16xf32>
        %mul3A_480 = arith.constant 8.000000e+00 : f32
        %mul3A_481 = vector.broadcast %mul3A_480 : f32 to vector<16xf32>
        %mul3A_482 = arith.mulf %get3A_479, %mul3A_481 : vector<16xf32>
        %swap3A_483 = arith.constant 1 : i32
        %swap3A_484 = arith.index_cast %swap3A_483 : i32 to index
        %swap3A_485 = arith.index_cast %scan3A_459 : i32 to index
        %swap3A_486 = arith.constant 16 : index
        %swap3A_487 = tpu.vector_load %arg6[%swap3A_484, %swap3A_485, %swap3A_486] {strides = array<i32>} : memref<4x256x64xf32, #tpu.memory_space<vmem>>, vector<1x1x16xf32>,
        %swap3A_488 = vector.shape_cast %swap3A_487 : vector<1x1x16xf32> to vector<16xf32>
        %swap3A_489 = vector.shape_cast %mul3A_482 : vector<16xf32> to vector<1x1x16xf32>
        tpu.vector_store %arg6[%swap3A_484, %swap3A_485, %swap3A_486], %swap3A_489 {strides = array<i32>} : memref<4x256x64xf32, #tpu.memory_space<vmem>>, vector<1x1x16xf32>,
        %get3A_490 = arith.constant 1 : i32
        %get3A_491 = arith.index_cast %get3A_490 : i32 to index
        %get3A_492 = arith.index_cast %scan3A_459 : i32 to index
        %get3A_493 = arith.constant 32 : index
        %get3A_494 = tpu.vector_load %arg6[%get3A_491, %get3A_492, %get3A_493] {strides = array<i32>} : memref<4x256x64xf32, #tpu.memory_space<vmem>>, vector<1x1x16xf32>,
        %get3A_495 = vector.shape_cast %get3A_494 : vector<1x1x16xf32> to vector<16xf32>
        %mul3A_496 = arith.constant 8.000000e+00 : f32
        %mul3A_497 = vector.broadcast %mul3A_496 : f32 to vector<16xf32>
        %mul3A_498 = arith.mulf %get3A_495, %mul3A_497 : vector<16xf32>
        %swap3A_499 = arith.constant 1 : i32
        %swap3A_500 = arith.index_cast %swap3A_499 : i32 to index
        %swap3A_501 = arith.index_cast %scan3A_459 : i32 to index
        %swap3A_502 = arith.constant 32 : index
        %swap3A_503 = tpu.vector_load %arg6[%swap3A_500, %swap3A_501, %swap3A_502] {strides = array<i32>} : memref<4x256x64xf32, #tpu.memory_space<vmem>>, vector<1x1x16xf32>,
        %swap3A_504 = vector.shape_cast %swap3A_503 : vector<1x1x16xf32> to vector<16xf32>
        %swap3A_505 = vector.shape_cast %mul3A_498 : vector<16xf32> to vector<1x1x16xf32>
        tpu.vector_store %arg6[%swap3A_500, %swap3A_501, %swap3A_502], %swap3A_505 {strides = array<i32>} : memref<4x256x64xf32, #tpu.memory_space<vmem>>, vector<1x1x16xf32>,
        %get3A_506 = arith.constant 1 : i32
        %get3A_507 = arith.index_cast %get3A_506 : i32 to index
        %get3A_508 = arith.index_cast %scan3A_459 : i32 to index
        %get3A_509 = arith.constant 48 : index
        %get3A_510 = tpu.vector_load %arg6[%get3A_507, %get3A_508, %get3A_509] {strides = array<i32>} : memref<4x256x64xf32, #tpu.memory_space<vmem>>, vector<1x1x16xf32>,
        %get3A_511 = vector.shape_cast %get3A_510 : vector<1x1x16xf32> to vector<16xf32>
        %mul3A_512 = arith.constant 8.000000e+00 : f32
        %mul3A_513 = vector.broadcast %mul3A_512 : f32 to vector<16xf32>
        %mul3A_514 = arith.mulf %get3A_511, %mul3A_513 : vector<16xf32>
        %swap3A_515 = arith.constant 1 : i32
        %swap3A_516 = arith.index_cast %swap3A_515 : i32 to index
        %swap3A_517 = arith.index_cast %scan3A_459 : i32 to index
        %swap3A_518 = arith.constant 48 : index
        %swap3A_519 = tpu.vector_load %arg6[%swap3A_516, %swap3A_517, %swap3A_518] {strides = array<i32>} : memref<4x256x64xf32, #tpu.memory_space<vmem>>, vector<1x1x16xf32>,
        %swap3A_520 = vector.shape_cast %swap3A_519 : vector<1x1x16xf32> to vector<16xf32>
        %swap3A_521 = vector.shape_cast %mul3A_514 : vector<16xf32> to vector<1x1x16xf32>
        tpu.vector_store %arg6[%swap3A_516, %swap3A_517, %swap3A_518], %swap3A_521 {strides = array<i32>} : memref<4x256x64xf32, #tpu.memory_space<vmem>>, vector<1x1x16xf32>,
      }
      %scan3A_261 = arith.constant 256 : i32
      %mul3A_262 = arith.constant 256 : i32
      %mul3A_263 = arith.muli %add3A_214, %mul3A_262 : i32
      %add3A_264 = arith.addi %mul3A_2, %mul3A_263 : i32
      %dma_start3A_265 = arith.constant 1 : i32
      %dma_start3A_266 = arith.constant 1 : i32
      %dma_start3A_267 = arith.constant 0 : i32
      %dma_start3A_268 = arith.constant 0 : i32
      %dma_start3A_269 = tpu.memref_slice %arg6[%dma_start3A_265, %dma_start3A_267, %dma_start3A_268] : memref<4x256x64xf32, #tpu.memory_space<vmem>> -> memref<1x256x64xf32, #tpu.memory_space<vmem>>
      %dma_start3A_270 = tpu.memref_squeeze %dma_start3A_269 : memref<1x256x64xf32, #tpu.memory_space<vmem>> -> memref<256x64xf32, #tpu.memory_space<vmem>>
      %dma_start3A_271 = arith.constant 0 : i32
      %dma_start3A_272 = tpu.memref_slice %arg4[%add3A_264, %dma_start3A_271] : memref<819200x64xf32, #tpu.memory_space<hbm>> -> memref<256x64xf32, #tpu.memory_space<hbm>>
      %dma_start3A_273 = tpu.memref_slice %arg8[%dma_start3A_266] : memref<4x!tpu.dma_semaphore, #tpu.memory_space<semaphore_mem>> -> memref<1x!tpu.dma_semaphore, #tpu.memory_space<semaphore_mem>>
      %dma_start3A_274 = tpu.memref_squeeze %dma_start3A_273 : memref<1x!tpu.dma_semaphore, #tpu.memory_space<semaphore_mem>> -> memref<!tpu.dma_semaphore, #tpu.memory_space<semaphore_mem>>
      %dma_start3A_275 = arith.constant 0 : i32
      %dma_start3A_276 = tpu.memref_slice %arg4[%add3A_264, %dma_start3A_275] : memref<819200x64xf32, #tpu.memory_space<hbm>> -> memref<256x64xf32, #tpu.memory_space<hbm>>
      %dma_start3A_277 = arith.constant 0 : i32
      %dma_start3A_278 = arith.constant 0 : i32
      %dma_start3A_279 = tpu.memref_slice %arg6[%dma_start3A_265, %dma_start3A_277, %dma_start3A_278] : memref<4x256x64xf32, #tpu.memory_space<vmem>> -> memref<1x256x64xf32, #tpu.memory_space<vmem>>
      %dma_start3A_280 = tpu.memref_squeeze %dma_start3A_279 : memref<1x256x64xf32, #tpu.memory_space<vmem>> -> memref<256x64xf32, #tpu.memory_space<vmem>>
      tpu.enqueue_dma source(%dma_start3A_280 : memref<256x64xf32, #tpu.memory_space<vmem>>) target(%dma_start3A_276 : memref<256x64xf32, #tpu.memory_space<hbm>>) target_semaphore(%dma_start3A_274 : memref<!tpu.dma_semaphore, #tpu.memory_space<semaphore_mem>>)
      %gt3A_281 = arith.constant 0 : i32
      %gt3A_282 = arith.cmpi sgt, %add3A_214, %gt3A_281 : i32
      %convert_element_type3A_283 = arith.extui %gt3A_282 : i1 to i32
      %cond3A_284 = arith.constant 0 : i32
      %cond3A_285 = arith.cmpi ne, %convert_element_type3A_283, %cond3A_284 : i32
      scf.if %cond3A_285 {
        %sub3A_459 = arith.constant 1 : i32
        %sub3A_460 = arith.subi %add3A_214, %sub3A_459 : i32
        %mul3A_461 = arith.constant 256 : i32
        %mul3A_462 = arith.muli %sub3A_460, %mul3A_461 : i32
        %add3A_463 = arith.addi %mul3A_2, %mul3A_462 : i32
        %dma_wait3A_464 = arith.constant 0 : i32
        %dma_wait3A_465 = arith.constant 0 : i32
        %dma_wait3A_466 = arith.constant 0 : i32
        %dma_wait3A_467 = arith.constant 0 : i32
        %dma_wait3A_468 = tpu.memref_slice %arg6[%dma_wait3A_464, %dma_wait3A_466, %dma_wait3A_467] : memref<4x256x64xf32, #tpu.memory_space<vmem>> -> memref<1x256x64xf32, #tpu.memory_space<vmem>>
        %dma_wait3A_469 = tpu.memref_squeeze %dma_wait3A_468 : memref<1x256x64xf32, #tpu.memory_space<vmem>> -> memref<256x64xf32, #tpu.memory_space<vmem>>
        %dma_wait3A_470 = arith.constant 0 : i32
        %dma_wait3A_471 = tpu.memref_slice %arg4[%add3A_463, %dma_wait3A_470] : memref<819200x64xf32, #tpu.memory_space<hbm>> -> memref<256x64xf32, #tpu.memory_space<hbm>>
        %dma_wait3A_472 = tpu.memref_slice %arg8[%dma_wait3A_465] : memref<4x!tpu.dma_semaphore, #tpu.memory_space<semaphore_mem>> -> memref<1x!tpu.dma_semaphore, #tpu.memory_space<semaphore_mem>>
        %dma_wait3A_473 = tpu.memref_squeeze %dma_wait3A_472 : memref<1x!tpu.dma_semaphore, #tpu.memory_space<semaphore_mem>> -> memref<!tpu.dma_semaphore, #tpu.memory_space<semaphore_mem>>
        %dma_wait3A_474 = arith.constant 0 : i32
        %dma_wait3A_475 = tpu.memref_slice %arg4[%add3A_463, %dma_wait3A_474] : memref<819200x64xf32, #tpu.memory_space<hbm>> -> memref<256x64xf32, #tpu.memory_space<hbm>>
        %dma_wait3A_476 = arith.constant 0 : i32
        %dma_wait3A_477 = arith.constant 0 : i32
        %dma_wait3A_478 = tpu.memref_slice %arg6[%dma_wait3A_464, %dma_wait3A_476, %dma_wait3A_477] : memref<4x256x64xf32, #tpu.memory_space<vmem>> -> memref<1x256x64xf32, #tpu.memory_space<vmem>>
        %dma_wait3A_479 = tpu.memref_squeeze %dma_wait3A_478 : memref<1x256x64xf32, #tpu.memory_space<vmem>> -> memref<256x64xf32, #tpu.memory_space<vmem>>
        tpu.wait_dma2 semaphore(%dma_wait3A_473 : memref<!tpu.dma_semaphore, #tpu.memory_space<semaphore_mem>>) src(%dma_wait3A_479 : memref<256x64xf32, #tpu.memory_space<vmem>>) dst(%dma_wait3A_475 : memref<256x64xf32, #tpu.memory_space<hbm>>)
      } else {
      }
      %add3A_286 = arith.constant 4 : i32
      %add3A_287 = arith.addi %add3A_214, %add3A_286 : i32
      %sub3A_288 = arith.constant 1 : i32
      %sub3A_289 = arith.subi %add3A_287, %sub3A_288 : i32
      %lt3A_290 = arith.constant 100 : i32
      %lt3A_291 = arith.cmpi slt, %sub3A_289, %lt3A_290 : i32
      %convert_element_type3A_292 = arith.extui %lt3A_291 : i1 to i32
      %cond3A_293 = arith.constant 0 : i32
      %cond3A_294 = arith.cmpi ne, %convert_element_type3A_292, %cond3A_293 : i32
      scf.if %cond3A_294 {
        %add3A_459 = arith.constant 4 : i32
        %add3A_460 = arith.addi %add3A_214, %add3A_459 : i32
        %sub3A_461 = arith.constant 1 : i32
        %sub3A_462 = arith.subi %add3A_460, %sub3A_461 : i32
        %mul3A_463 = arith.constant 2 : i32
        %mul3A_464 = arith.muli %sub3A_462, %mul3A_463 : i32
        %add3A_465 = arith.constant 0 : i32
        %add3A_466 = arith.addi %mul3A_464, %add3A_465 : i32
        %mul3A_467 = arith.constant 2 : i32
        %mul3A_468 = arith.muli %sub3A_462, %mul3A_467 : i32
        %add3A_469 = arith.constant 1 : i32
        %add3A_470 = arith.addi %mul3A_468, %add3A_469 : i32
        %dma_start3A_471 = arith.constant 0 : i32
        %dma_start3A_472 = arith.constant 0 : i32
        %dma_start3A_473 = arith.constant 0 : i32
        %dma_start3A_474 = arith.constant 0 : i32
        %dma_start3A_475 = tpu.memref_slice %arg6[%dma_start3A_471, %dma_start3A_473, %dma_start3A_474] : memref<4x256x64xf32, #tpu.memory_space<vmem>> -> memref<1x256x64xf32, #tpu.memory_space<vmem>>
        %dma_start3A_476 = tpu.memref_squeeze %dma_start3A_475 : memref<1x256x64xf32, #tpu.memory_space<vmem>> -> memref<256x64xf32, #tpu.memory_space<vmem>>
        %dma_start3A_477 = arith.constant 0 : i32
        %dma_start3A_478 = arith.constant 0 : i32
        %dma_start3A_479 = tpu.memref_slice %dma_start3A_476[%dma_start3A_477, %dma_start3A_478] : memref<256x64xf32, #tpu.memory_space<vmem>> -> memref<128x64xf32, #tpu.memory_space<vmem>>
        %dma_start3A_480 = arith.constant 0 : i32
        %dma_start3A_481 = tpu.memref_slice %arg5[%add3A_466, %dma_start3A_480] : memref<200x128xi32, #tpu.memory_space<vmem>> -> memref<1x128xi32, #tpu.memory_space<vmem>>
        %dma_start3A_482 = tpu.memref_squeeze %dma_start3A_481 : memref<1x128xi32, #tpu.memory_space<vmem>> -> memref<128xi32, #tpu.memory_space<vmem>>
        %dma_start3A_483 = arith.constant 0 : i32
        %dma_start3A_484 = arith.constant 0 : i32
        %dma_start3A_485 = tpu.memref_slice %arg3[%dma_start3A_483, %dma_start3A_484] : memref<1000000x64xf32, #tpu.memory_space<hbm>> -> memref<1000000x64xf32, #tpu.memory_space<hbm>>
        %dma_start3A_486 = tpu.memref_slice %arg7[%dma_start3A_472] : memref<4x!tpu.dma_semaphore, #tpu.memory_space<semaphore_mem>> -> memref<1x!tpu.dma_semaphore, #tpu.memory_space<semaphore_mem>>
        %dma_start3A_487 = tpu.memref_squeeze %dma_start3A_486 : memref<1x!tpu.dma_semaphore, #tpu.memory_space<semaphore_mem>> -> memref<!tpu.dma_semaphore, #tpu.memory_space<semaphore_mem>>
        tpu.enqueue_indirect_dma source(%dma_start3A_485 : memref<1000000x64xf32, #tpu.memory_space<hbm>>) target(%dma_start3A_479 : memref<128x64xf32, #tpu.memory_space<vmem>>) offsets(%dma_start3A_482 : memref<128xi32, #tpu.memory_space<vmem>>) semaphore(%dma_start3A_487 : memref<!tpu.dma_semaphore, #tpu.memory_space<semaphore_mem>>)
        %dma_start3A_488 = arith.constant 0 : i32
        %dma_start3A_489 = arith.constant 0 : i32
        %dma_start3A_490 = arith.constant 0 : i32
        %dma_start3A_491 = arith.constant 0 : i32
        %dma_start3A_492 = tpu.memref_slice %arg6[%dma_start3A_488, %dma_start3A_490, %dma_start3A_491] : memref<4x256x64xf32, #tpu.memory_space<vmem>> -> memref<1x256x64xf32, #tpu.memory_space<vmem>>
        %dma_start3A_493 = tpu.memref_squeeze %dma_start3A_492 : memref<1x256x64xf32, #tpu.memory_space<vmem>> -> memref<256x64xf32, #tpu.memory_space<vmem>>
        %dma_start3A_494 = arith.constant 128 : i32
        %dma_start3A_495 = arith.constant 0 : i32
        %dma_start3A_496 = tpu.memref_slice %dma_start3A_493[%dma_start3A_494, %dma_start3A_495] : memref<256x64xf32, #tpu.memory_space<vmem>> -> memref<128x64xf32, #tpu.memory_space<vmem>>
        %dma_start3A_497 = arith.constant 0 : i32
        %dma_start3A_498 = tpu.memref_slice %arg5[%add3A_470, %dma_start3A_497] : memref<200x128xi32, #tpu.memory_space<vmem>> -> memref<1x128xi32, #tpu.memory_space<vmem>>
        %dma_start3A_499 = tpu.memref_squeeze %dma_start3A_498 : memref<1x128xi32, #tpu.memory_space<vmem>> -> memref<128xi32, #tpu.memory_space<vmem>>
        %dma_start3A_500 = arith.constant 0 : i32
        %dma_start3A_501 = arith.constant 0 : i32
        %dma_start3A_502 = tpu.memref_slice %arg3[%dma_start3A_500, %dma_start3A_501] : memref<1000000x64xf32, #tpu.memory_space<hbm>> -> memref<1000000x64xf32, #tpu.memory_space<hbm>>
        %dma_start3A_503 = tpu.memref_slice %arg7[%dma_start3A_489] : memref<4x!tpu.dma_semaphore, #tpu.memory_space<semaphore_mem>> -> memref<1x!tpu.dma_semaphore, #tpu.memory_space<semaphore_mem>>
        %dma_start3A_504 = tpu.memref_squeeze %dma_start3A_503 : memref<1x!tpu.dma_semaphore, #tpu.memory_space<semaphore_mem>> -> memref<!tpu.dma_semaphore, #tpu.memory_space<semaphore_mem>>
        tpu.enqueue_indirect_dma source(%dma_start3A_502 : memref<1000000x64xf32, #tpu.memory_space<hbm>>) target(%dma_start3A_496 : memref<128x64xf32, #tpu.memory_space<vmem>>) offsets(%dma_start3A_499 : memref<128xi32, #tpu.memory_space<vmem>>) semaphore(%dma_start3A_504 : memref<!tpu.dma_semaphore, #tpu.memory_space<semaphore_mem>>)
      } else {
      }
      %add3A_295 = arith.constant 2 : i32
      %add3A_296 = arith.addi %mul3A_135, %add3A_295 : i32
      %mul3A_297 = arith.constant 2 : i32
      %mul3A_298 = arith.muli %add3A_296, %mul3A_297 : i32
      %add3A_299 = arith.constant 0 : i32
      %add3A_300 = arith.addi %mul3A_298, %add3A_299 : i32
      %mul3A_301 = arith.constant 2 : i32
      %mul3A_302 = arith.muli %add3A_296, %mul3A_301 : i32
      %add3A_303 = arith.constant 1 : i32
      %add3A_304 = arith.addi %mul3A_302, %add3A_303 : i32
      %dma_wait3A_305 = arith.constant 2 : i32
      %dma_wait3A_306 = arith.constant 2 : i32
      %dma_wait3A_307 = arith.constant 0 : i32
      %dma_wait3A_308 = arith.constant 0 : i32
      %dma_wait3A_309 = tpu.memref_slice %arg6[%dma_wait3A_305, %dma_wait3A_307, %dma_wait3A_308] : memref<4x256x64xf32, #tpu.memory_space<vmem>> -> memref<1x256x64xf32, #tpu.memory_space<vmem>>
      %dma_wait3A_310 = tpu.memref_squeeze %dma_wait3A_309 : memref<1x256x64xf32, #tpu.memory_space<vmem>> -> memref<256x64xf32, #tpu.memory_space<vmem>>
      %dma_wait3A_311 = arith.constant 0 : i32
      %dma_wait3A_312 = arith.constant 0 : i32
      %dma_wait3A_313 = tpu.memref_slice %dma_wait3A_310[%dma_wait3A_311, %dma_wait3A_312] : memref<256x64xf32, #tpu.memory_space<vmem>> -> memref<128x64xf32, #tpu.memory_space<vmem>>
      %dma_wait3A_314 = arith.constant 0 : i32
      %dma_wait3A_315 = tpu.memref_slice %arg5[%add3A_300, %dma_wait3A_314] : memref<200x128xi32, #tpu.memory_space<vmem>> -> memref<1x128xi32, #tpu.memory_space<vmem>>
      %dma_wait3A_316 = tpu.memref_squeeze %dma_wait3A_315 : memref<1x128xi32, #tpu.memory_space<vmem>> -> memref<128xi32, #tpu.memory_space<vmem>>
      %dma_wait3A_317 = arith.constant 0 : i32
      %dma_wait3A_318 = arith.constant 0 : i32
      %dma_wait3A_319 = tpu.memref_slice %arg3[%dma_wait3A_317, %dma_wait3A_318] : memref<1000000x64xf32, #tpu.memory_space<hbm>> -> memref<1000000x64xf32, #tpu.memory_space<hbm>>
      %dma_wait3A_320 = tpu.memref_slice %arg7[%dma_wait3A_306] : memref<4x!tpu.dma_semaphore, #tpu.memory_space<semaphore_mem>> -> memref<1x!tpu.dma_semaphore, #tpu.memory_space<semaphore_mem>>
      %dma_wait3A_321 = tpu.memref_squeeze %dma_wait3A_320 : memref<1x!tpu.dma_semaphore, #tpu.memory_space<semaphore_mem>> -> memref<!tpu.dma_semaphore, #tpu.memory_space<semaphore_mem>>
      tpu.wait_indirect_dma semaphore(%dma_wait3A_321 : memref<!tpu.dma_semaphore, #tpu.memory_space<semaphore_mem>>) src(%dma_wait3A_319 : memref<1000000x64xf32, #tpu.memory_space<hbm>>) dst(%dma_wait3A_313 : memref<128x64xf32, #tpu.memory_space<vmem>>)
      %dma_wait3A_322 = arith.constant 2 : i32
      %dma_wait3A_323 = arith.constant 2 : i32
      %dma_wait3A_324 = arith.constant 0 : i32
      %dma_wait3A_325 = arith.constant 0 : i32
      %dma_wait3A_326 = tpu.memref_slice %arg6[%dma_wait3A_322, %dma_wait3A_324, %dma_wait3A_325] : memref<4x256x64xf32, #tpu.memory_space<vmem>> -> memref<1x256x64xf32, #tpu.memory_space<vmem>>
      %dma_wait3A_327 = tpu.memref_squeeze %dma_wait3A_326 : memref<1x256x64xf32, #tpu.memory_space<vmem>> -> memref<256x64xf32, #tpu.memory_space<vmem>>
      %dma_wait3A_328 = arith.constant 128 : i32
      %dma_wait3A_329 = arith.constant 0 : i32
      %dma_wait3A_330 = tpu.memref_slice %dma_wait3A_327[%dma_wait3A_328, %dma_wait3A_329] : memref<256x64xf32, #tpu.memory_space<vmem>> -> memref<128x64xf32, #tpu.memory_space<vmem>>
      %dma_wait3A_331 = arith.constant 0 : i32
      %dma_wait3A_332 = tpu.memref_slice %arg5[%add3A_304, %dma_wait3A_331] : memref<200x128xi32, #tpu.memory_space<vmem>> -> memref<1x128xi32, #tpu.memory_space<vmem>>
      %dma_wait3A_333 = tpu.memref_squeeze %dma_wait3A_332 : memref<1x128xi32, #tpu.memory_space<vmem>> -> memref<128xi32, #tpu.memory_space<vmem>>
      %dma_wait3A_334 = arith.constant 0 : i32
      %dma_wait3A_335 = arith.constant 0 : i32
      %dma_wait3A_336 = tpu.memref_slice %arg3[%dma_wait3A_334, %dma_wait3A_335] : memref<1000000x64xf32, #tpu.memory_space<hbm>> -> memref<1000000x64xf32, #tpu.memory_space<hbm>>
      %dma_wait3A_337 = tpu.memref_slice %arg7[%dma_wait3A_323] : memref<4x!tpu.dma_semaphore, #tpu.memory_space<semaphore_mem>> -> memref<1x!tpu.dma_semaphore, #tpu.memory_space<semaphore_mem>>
      %dma_wait3A_338 = tpu.memref_squeeze %dma_wait3A_337 : memref<1x!tpu.dma_semaphore, #tpu.memory_space<semaphore_mem>> -> memref<!tpu.dma_semaphore, #tpu.memory_space<semaphore_mem>>
      tpu.wait_indirect_dma semaphore(%dma_wait3A_338 : memref<!tpu.dma_semaphore, #tpu.memory_space<semaphore_mem>>) src(%dma_wait3A_336 : memref<1000000x64xf32, #tpu.memory_space<hbm>>) dst(%dma_wait3A_330 : memref<128x64xf32, #tpu.memory_space<vmem>>)
      %scan3A_339 = arith.constant 0 : i32
      %scan3A_340 = arith.constant 256 : i32
      %scan3A_341 = arith.addi %scan3A_339, %scan3A_340 : i32
      %scan3A_342 = arith.constant 1 : i32
      scf.for %scan3A_459 = %scan3A_339 to %scan3A_341 step %scan3A_342  : i32 {
        %get3A = arith.constant 2 : i32
        %get3A_460 = arith.index_cast %get3A : i32 to index
        %get3A_461 = arith.index_cast %scan3A_459 : i32 to index
        %get3A_462 = arith.constant 0 : index
        %get3A_463 = tpu.vector_load %arg6[%get3A_460, %get3A_461, %get3A_462] {strides = array<i32>} : memref<4x256x64xf32, #tpu.memory_space<vmem>>, vector<1x1x16xf32>,
        %get3A_464 = vector.shape_cast %get3A_463 : vector<1x1x16xf32> to vector<16xf32>
        %mul3A_465 = arith.constant 8.000000e+00 : f32
        %mul3A_466 = vector.broadcast %mul3A_465 : f32 to vector<16xf32>
        %mul3A_467 = arith.mulf %get3A_464, %mul3A_466 : vector<16xf32>
        %swap3A = arith.constant 2 : i32
        %swap3A_468 = arith.index_cast %swap3A : i32 to index
        %swap3A_469 = arith.index_cast %scan3A_459 : i32 to index
        %swap3A_470 = arith.constant 0 : index
        %swap3A_471 = tpu.vector_load %arg6[%swap3A_468, %swap3A_469, %swap3A_470] {strides = array<i32>} : memref<4x256x64xf32, #tpu.memory_space<vmem>>, vector<1x1x16xf32>,
        %swap3A_472 = vector.shape_cast %swap3A_471 : vector<1x1x16xf32> to vector<16xf32>
        %swap3A_473 = vector.shape_cast %mul3A_467 : vector<16xf32> to vector<1x1x16xf32>
        tpu.vector_store %arg6[%swap3A_468, %swap3A_469, %swap3A_470], %swap3A_473 {strides = array<i32>} : memref<4x256x64xf32, #tpu.memory_space<vmem>>, vector<1x1x16xf32>,
        %get3A_474 = arith.constant 2 : i32
        %get3A_475 = arith.index_cast %get3A_474 : i32 to index
        %get3A_476 = arith.index_cast %scan3A_459 : i32 to index
        %get3A_477 = arith.constant 16 : index
        %get3A_478 = tpu.vector_load %arg6[%get3A_475, %get3A_476, %get3A_477] {strides = array<i32>} : memref<4x256x64xf32, #tpu.memory_space<vmem>>, vector<1x1x16xf32>,
        %get3A_479 = vector.shape_cast %get3A_478 : vector<1x1x16xf32> to vector<16xf32>
        %mul3A_480 = arith.constant 8.000000e+00 : f32
        %mul3A_481 = vector.broadcast %mul3A_480 : f32 to vector<16xf32>
        %mul3A_482 = arith.mulf %get3A_479, %mul3A_481 : vector<16xf32>
        %swap3A_483 = arith.constant 2 : i32
        %swap3A_484 = arith.index_cast %swap3A_483 : i32 to index
        %swap3A_485 = arith.index_cast %scan3A_459 : i32 to index
        %swap3A_486 = arith.constant 16 : index
        %swap3A_487 = tpu.vector_load %arg6[%swap3A_484, %swap3A_485, %swap3A_486] {strides = array<i32>} : memref<4x256x64xf32, #tpu.memory_space<vmem>>, vector<1x1x16xf32>,
        %swap3A_488 = vector.shape_cast %swap3A_487 : vector<1x1x16xf32> to vector<16xf32>
        %swap3A_489 = vector.shape_cast %mul3A_482 : vector<16xf32> to vector<1x1x16xf32>
        tpu.vector_store %arg6[%swap3A_484, %swap3A_485, %swap3A_486], %swap3A_489 {strides = array<i32>} : memref<4x256x64xf32, #tpu.memory_space<vmem>>, vector<1x1x16xf32>,
        %get3A_490 = arith.constant 2 : i32
        %get3A_491 = arith.index_cast %get3A_490 : i32 to index
        %get3A_492 = arith.index_cast %scan3A_459 : i32 to index
        %get3A_493 = arith.constant 32 : index
        %get3A_494 = tpu.vector_load %arg6[%get3A_491, %get3A_492, %get3A_493] {strides = array<i32>} : memref<4x256x64xf32, #tpu.memory_space<vmem>>, vector<1x1x16xf32>,
        %get3A_495 = vector.shape_cast %get3A_494 : vector<1x1x16xf32> to vector<16xf32>
        %mul3A_496 = arith.constant 8.000000e+00 : f32
        %mul3A_497 = vector.broadcast %mul3A_496 : f32 to vector<16xf32>
        %mul3A_498 = arith.mulf %get3A_495, %mul3A_497 : vector<16xf32>
        %swap3A_499 = arith.constant 2 : i32
        %swap3A_500 = arith.index_cast %swap3A_499 : i32 to index
        %swap3A_501 = arith.index_cast %scan3A_459 : i32 to index
        %swap3A_502 = arith.constant 32 : index
        %swap3A_503 = tpu.vector_load %arg6[%swap3A_500, %swap3A_501, %swap3A_502] {strides = array<i32>} : memref<4x256x64xf32, #tpu.memory_space<vmem>>, vector<1x1x16xf32>,
        %swap3A_504 = vector.shape_cast %swap3A_503 : vector<1x1x16xf32> to vector<16xf32>
        %swap3A_505 = vector.shape_cast %mul3A_498 : vector<16xf32> to vector<1x1x16xf32>
        tpu.vector_store %arg6[%swap3A_500, %swap3A_501, %swap3A_502], %swap3A_505 {strides = array<i32>} : memref<4x256x64xf32, #tpu.memory_space<vmem>>, vector<1x1x16xf32>,
        %get3A_506 = arith.constant 2 : i32
        %get3A_507 = arith.index_cast %get3A_506 : i32 to index
        %get3A_508 = arith.index_cast %scan3A_459 : i32 to index
        %get3A_509 = arith.constant 48 : index
        %get3A_510 = tpu.vector_load %arg6[%get3A_507, %get3A_508, %get3A_509] {strides = array<i32>} : memref<4x256x64xf32, #tpu.memory_space<vmem>>, vector<1x1x16xf32>,
        %get3A_511 = vector.shape_cast %get3A_510 : vector<1x1x16xf32> to vector<16xf32>
        %mul3A_512 = arith.constant 8.000000e+00 : f32
        %mul3A_513 = vector.broadcast %mul3A_512 : f32 to vector<16xf32>
        %mul3A_514 = arith.mulf %get3A_511, %mul3A_513 : vector<16xf32>
        %swap3A_515 = arith.constant 2 : i32
        %swap3A_516 = arith.index_cast %swap3A_515 : i32 to index
        %swap3A_517 = arith.index_cast %scan3A_459 : i32 to index
        %swap3A_518 = arith.constant 48 : index
        %swap3A_519 = tpu.vector_load %arg6[%swap3A_516, %swap3A_517, %swap3A_518] {strides = array<i32>} : memref<4x256x64xf32, #tpu.memory_space<vmem>>, vector<1x1x16xf32>,
        %swap3A_520 = vector.shape_cast %swap3A_519 : vector<1x1x16xf32> to vector<16xf32>
        %swap3A_521 = vector.shape_cast %mul3A_514 : vector<16xf32> to vector<1x1x16xf32>
        tpu.vector_store %arg6[%swap3A_516, %swap3A_517, %swap3A_518], %swap3A_521 {strides = array<i32>} : memref<4x256x64xf32, #tpu.memory_space<vmem>>, vector<1x1x16xf32>,
      }
      %scan3A_343 = arith.constant 256 : i32
      %mul3A_344 = arith.constant 256 : i32
      %mul3A_345 = arith.muli %add3A_296, %mul3A_344 : i32
      %add3A_346 = arith.addi %mul3A_2, %mul3A_345 : i32
      %dma_start3A_347 = arith.constant 2 : i32
      %dma_start3A_348 = arith.constant 2 : i32
      %dma_start3A_349 = arith.constant 0 : i32
      %dma_start3A_350 = arith.constant 0 : i32
      %dma_start3A_351 = tpu.memref_slice %arg6[%dma_start3A_347, %dma_start3A_349, %dma_start3A_350] : memref<4x256x64xf32, #tpu.memory_space<vmem>> -> memref<1x256x64xf32, #tpu.memory_space<vmem>>
      %dma_start3A_352 = tpu.memref_squeeze %dma_start3A_351 : memref<1x256x64xf32, #tpu.memory_space<vmem>> -> memref<256x64xf32, #tpu.memory_space<vmem>>
      %dma_start3A_353 = arith.constant 0 : i32
      %dma_start3A_354 = tpu.memref_slice %arg4[%add3A_346, %dma_start3A_353] : memref<819200x64xf32, #tpu.memory_space<hbm>> -> memref<256x64xf32, #tpu.memory_space<hbm>>
      %dma_start3A_355 = tpu.memref_slice %arg8[%dma_start3A_348] : memref<4x!tpu.dma_semaphore, #tpu.memory_space<semaphore_mem>> -> memref<1x!tpu.dma_semaphore, #tpu.memory_space<semaphore_mem>>
      %dma_start3A_356 = tpu.memref_squeeze %dma_start3A_355 : memref<1x!tpu.dma_semaphore, #tpu.memory_space<semaphore_mem>> -> memref<!tpu.dma_semaphore, #tpu.memory_space<semaphore_mem>>
      %dma_start3A_357 = arith.constant 0 : i32
      %dma_start3A_358 = tpu.memref_slice %arg4[%add3A_346, %dma_start3A_357] : memref<819200x64xf32, #tpu.memory_space<hbm>> -> memref<256x64xf32, #tpu.memory_space<hbm>>
      %dma_start3A_359 = arith.constant 0 : i32
      %dma_start3A_360 = arith.constant 0 : i32
      %dma_start3A_361 = tpu.memref_slice %arg6[%dma_start3A_347, %dma_start3A_359, %dma_start3A_360] : memref<4x256x64xf32, #tpu.memory_space<vmem>> -> memref<1x256x64xf32, #tpu.memory_space<vmem>>
      %dma_start3A_362 = tpu.memref_squeeze %dma_start3A_361 : memref<1x256x64xf32, #tpu.memory_space<vmem>> -> memref<256x64xf32, #tpu.memory_space<vmem>>
      tpu.enqueue_dma source(%dma_start3A_362 : memref<256x64xf32, #tpu.memory_space<vmem>>) target(%dma_start3A_358 : memref<256x64xf32, #tpu.memory_space<hbm>>) target_semaphore(%dma_start3A_356 : memref<!tpu.dma_semaphore, #tpu.memory_space<semaphore_mem>>)
      %gt3A_363 = arith.constant 0 : i32
      %gt3A_364 = arith.cmpi sgt, %add3A_296, %gt3A_363 : i32
      %convert_element_type3A_365 = arith.extui %gt3A_364 : i1 to i32
      %cond3A_366 = arith.constant 0 : i32
      %cond3A_367 = arith.cmpi ne, %convert_element_type3A_365, %cond3A_366 : i32
      scf.if %cond3A_367 {
        %sub3A_459 = arith.constant 1 : i32
        %sub3A_460 = arith.subi %add3A_296, %sub3A_459 : i32
        %mul3A_461 = arith.constant 256 : i32
        %mul3A_462 = arith.muli %sub3A_460, %mul3A_461 : i32
        %add3A_463 = arith.addi %mul3A_2, %mul3A_462 : i32
        %dma_wait3A_464 = arith.constant 1 : i32
        %dma_wait3A_465 = arith.constant 1 : i32
        %dma_wait3A_466 = arith.constant 0 : i32
        %dma_wait3A_467 = arith.constant 0 : i32
        %dma_wait3A_468 = tpu.memref_slice %arg6[%dma_wait3A_464, %dma_wait3A_466, %dma_wait3A_467] : memref<4x256x64xf32, #tpu.memory_space<vmem>> -> memref<1x256x64xf32, #tpu.memory_space<vmem>>
        %dma_wait3A_469 = tpu.memref_squeeze %dma_wait3A_468 : memref<1x256x64xf32, #tpu.memory_space<vmem>> -> memref<256x64xf32, #tpu.memory_space<vmem>>
        %dma_wait3A_470 = arith.constant 0 : i32
        %dma_wait3A_471 = tpu.memref_slice %arg4[%add3A_463, %dma_wait3A_470] : memref<819200x64xf32, #tpu.memory_space<hbm>> -> memref<256x64xf32, #tpu.memory_space<hbm>>
        %dma_wait3A_472 = tpu.memref_slice %arg8[%dma_wait3A_465] : memref<4x!tpu.dma_semaphore, #tpu.memory_space<semaphore_mem>> -> memref<1x!tpu.dma_semaphore, #tpu.memory_space<semaphore_mem>>
        %dma_wait3A_473 = tpu.memref_squeeze %dma_wait3A_472 : memref<1x!tpu.dma_semaphore, #tpu.memory_space<semaphore_mem>> -> memref<!tpu.dma_semaphore, #tpu.memory_space<semaphore_mem>>
        %dma_wait3A_474 = arith.constant 0 : i32
        %dma_wait3A_475 = tpu.memref_slice %arg4[%add3A_463, %dma_wait3A_474] : memref<819200x64xf32, #tpu.memory_space<hbm>> -> memref<256x64xf32, #tpu.memory_space<hbm>>
        %dma_wait3A_476 = arith.constant 0 : i32
        %dma_wait3A_477 = arith.constant 0 : i32
        %dma_wait3A_478 = tpu.memref_slice %arg6[%dma_wait3A_464, %dma_wait3A_476, %dma_wait3A_477] : memref<4x256x64xf32, #tpu.memory_space<vmem>> -> memref<1x256x64xf32, #tpu.memory_space<vmem>>
        %dma_wait3A_479 = tpu.memref_squeeze %dma_wait3A_478 : memref<1x256x64xf32, #tpu.memory_space<vmem>> -> memref<256x64xf32, #tpu.memory_space<vmem>>
        tpu.wait_dma2 semaphore(%dma_wait3A_473 : memref<!tpu.dma_semaphore, #tpu.memory_space<semaphore_mem>>) src(%dma_wait3A_479 : memref<256x64xf32, #tpu.memory_space<vmem>>) dst(%dma_wait3A_475 : memref<256x64xf32, #tpu.memory_space<hbm>>)
      } else {
      }
      %add3A_368 = arith.constant 4 : i32
      %add3A_369 = arith.addi %add3A_296, %add3A_368 : i32
      %sub3A_370 = arith.constant 1 : i32
      %sub3A_371 = arith.subi %add3A_369, %sub3A_370 : i32
      %lt3A_372 = arith.constant 100 : i32
      %lt3A_373 = arith.cmpi slt, %sub3A_371, %lt3A_372 : i32
      %convert_element_type3A_374 = arith.extui %lt3A_373 : i1 to i32
      %cond3A_375 = arith.constant 0 : i32
      %cond3A_376 = arith.cmpi ne, %convert_element_type3A_374, %cond3A_375 : i32
      scf.if %cond3A_376 {
        %add3A_459 = arith.constant 4 : i32
        %add3A_460 = arith.addi %add3A_296, %add3A_459 : i32
        %sub3A_461 = arith.constant 1 : i32
        %sub3A_462 = arith.subi %add3A_460, %sub3A_461 : i32
        %mul3A_463 = arith.constant 2 : i32
        %mul3A_464 = arith.muli %sub3A_462, %mul3A_463 : i32
        %add3A_465 = arith.constant 0 : i32
        %add3A_466 = arith.addi %mul3A_464, %add3A_465 : i32
        %mul3A_467 = arith.constant 2 : i32
        %mul3A_468 = arith.muli %sub3A_462, %mul3A_467 : i32
        %add3A_469 = arith.constant 1 : i32
        %add3A_470 = arith.addi %mul3A_468, %add3A_469 : i32
        %dma_start3A_471 = arith.constant 1 : i32
        %dma_start3A_472 = arith.constant 1 : i32
        %dma_start3A_473 = arith.constant 0 : i32
        %dma_start3A_474 = arith.constant 0 : i32
        %dma_start3A_475 = tpu.memref_slice %arg6[%dma_start3A_471, %dma_start3A_473, %dma_start3A_474] : memref<4x256x64xf32, #tpu.memory_space<vmem>> -> memref<1x256x64xf32, #tpu.memory_space<vmem>>
        %dma_start3A_476 = tpu.memref_squeeze %dma_start3A_475 : memref<1x256x64xf32, #tpu.memory_space<vmem>> -> memref<256x64xf32, #tpu.memory_space<vmem>>
        %dma_start3A_477 = arith.constant 0 : i32
        %dma_start3A_478 = arith.constant 0 : i32
        %dma_start3A_479 = tpu.memref_slice %dma_start3A_476[%dma_start3A_477, %dma_start3A_478] : memref<256x64xf32, #tpu.memory_space<vmem>> -> memref<128x64xf32, #tpu.memory_space<vmem>>
        %dma_start3A_480 = arith.constant 0 : i32
        %dma_start3A_481 = tpu.memref_slice %arg5[%add3A_466, %dma_start3A_480] : memref<200x128xi32, #tpu.memory_space<vmem>> -> memref<1x128xi32, #tpu.memory_space<vmem>>
        %dma_start3A_482 = tpu.memref_squeeze %dma_start3A_481 : memref<1x128xi32, #tpu.memory_space<vmem>> -> memref<128xi32, #tpu.memory_space<vmem>>
        %dma_start3A_483 = arith.constant 0 : i32
        %dma_start3A_484 = arith.constant 0 : i32
        %dma_start3A_485 = tpu.memref_slice %arg3[%dma_start3A_483, %dma_start3A_484] : memref<1000000x64xf32, #tpu.memory_space<hbm>> -> memref<1000000x64xf32, #tpu.memory_space<hbm>>
        %dma_start3A_486 = tpu.memref_slice %arg7[%dma_start3A_472] : memref<4x!tpu.dma_semaphore, #tpu.memory_space<semaphore_mem>> -> memref<1x!tpu.dma_semaphore, #tpu.memory_space<semaphore_mem>>
        %dma_start3A_487 = tpu.memref_squeeze %dma_start3A_486 : memref<1x!tpu.dma_semaphore, #tpu.memory_space<semaphore_mem>> -> memref<!tpu.dma_semaphore, #tpu.memory_space<semaphore_mem>>
        tpu.enqueue_indirect_dma source(%dma_start3A_485 : memref<1000000x64xf32, #tpu.memory_space<hbm>>) target(%dma_start3A_479 : memref<128x64xf32, #tpu.memory_space<vmem>>) offsets(%dma_start3A_482 : memref<128xi32, #tpu.memory_space<vmem>>) semaphore(%dma_start3A_487 : memref<!tpu.dma_semaphore, #tpu.memory_space<semaphore_mem>>)
        %dma_start3A_488 = arith.constant 1 : i32
        %dma_start3A_489 = arith.constant 1 : i32
        %dma_start3A_490 = arith.constant 0 : i32
        %dma_start3A_491 = arith.constant 0 : i32
        %dma_start3A_492 = tpu.memref_slice %arg6[%dma_start3A_488, %dma_start3A_490, %dma_start3A_491] : memref<4x256x64xf32, #tpu.memory_space<vmem>> -> memref<1x256x64xf32, #tpu.memory_space<vmem>>
        %dma_start3A_493 = tpu.memref_squeeze %dma_start3A_492 : memref<1x256x64xf32, #tpu.memory_space<vmem>> -> memref<256x64xf32, #tpu.memory_space<vmem>>
        %dma_start3A_494 = arith.constant 128 : i32
        %dma_start3A_495 = arith.constant 0 : i32
        %dma_start3A_496 = tpu.memref_slice %dma_start3A_493[%dma_start3A_494, %dma_start3A_495] : memref<256x64xf32, #tpu.memory_space<vmem>> -> memref<128x64xf32, #tpu.memory_space<vmem>>
        %dma_start3A_497 = arith.constant 0 : i32
        %dma_start3A_498 = tpu.memref_slice %arg5[%add3A_470, %dma_start3A_497] : memref<200x128xi32, #tpu.memory_space<vmem>> -> memref<1x128xi32, #tpu.memory_space<vmem>>
        %dma_start3A_499 = tpu.memref_squeeze %dma_start3A_498 : memref<1x128xi32, #tpu.memory_space<vmem>> -> memref<128xi32, #tpu.memory_space<vmem>>
        %dma_start3A_500 = arith.constant 0 : i32
        %dma_start3A_501 = arith.constant 0 : i32
        %dma_start3A_502 = tpu.memref_slice %arg3[%dma_start3A_500, %dma_start3A_501] : memref<1000000x64xf32, #tpu.memory_space<hbm>> -> memref<1000000x64xf32, #tpu.memory_space<hbm>>
        %dma_start3A_503 = tpu.memref_slice %arg7[%dma_start3A_489] : memref<4x!tpu.dma_semaphore, #tpu.memory_space<semaphore_mem>> -> memref<1x!tpu.dma_semaphore, #tpu.memory_space<semaphore_mem>>
        %dma_start3A_504 = tpu.memref_squeeze %dma_start3A_503 : memref<1x!tpu.dma_semaphore, #tpu.memory_space<semaphore_mem>> -> memref<!tpu.dma_semaphore, #tpu.memory_space<semaphore_mem>>
        tpu.enqueue_indirect_dma source(%dma_start3A_502 : memref<1000000x64xf32, #tpu.memory_space<hbm>>) target(%dma_start3A_496 : memref<128x64xf32, #tpu.memory_space<vmem>>) offsets(%dma_start3A_499 : memref<128xi32, #tpu.memory_space<vmem>>) semaphore(%dma_start3A_504 : memref<!tpu.dma_semaphore, #tpu.memory_space<semaphore_mem>>)
      } else {
      }
      %add3A_377 = arith.constant 3 : i32
      %add3A_378 = arith.addi %mul3A_135, %add3A_377 : i32
      %mul3A_379 = arith.constant 2 : i32
      %mul3A_380 = arith.muli %add3A_378, %mul3A_379 : i32
      %add3A_381 = arith.constant 0 : i32
      %add3A_382 = arith.addi %mul3A_380, %add3A_381 : i32
      %mul3A_383 = arith.constant 2 : i32
      %mul3A_384 = arith.muli %add3A_378, %mul3A_383 : i32
      %add3A_385 = arith.constant 1 : i32
      %add3A_386 = arith.addi %mul3A_384, %add3A_385 : i32
      %dma_wait3A_387 = arith.constant 3 : i32
      %dma_wait3A_388 = arith.constant 3 : i32
      %dma_wait3A_389 = arith.constant 0 : i32
      %dma_wait3A_390 = arith.constant 0 : i32
      %dma_wait3A_391 = tpu.memref_slice %arg6[%dma_wait3A_387, %dma_wait3A_389, %dma_wait3A_390] : memref<4x256x64xf32, #tpu.memory_space<vmem>> -> memref<1x256x64xf32, #tpu.memory_space<vmem>>
      %dma_wait3A_392 = tpu.memref_squeeze %dma_wait3A_391 : memref<1x256x64xf32, #tpu.memory_space<vmem>> -> memref<256x64xf32, #tpu.memory_space<vmem>>
      %dma_wait3A_393 = arith.constant 0 : i32
      %dma_wait3A_394 = arith.constant 0 : i32
      %dma_wait3A_395 = tpu.memref_slice %dma_wait3A_392[%dma_wait3A_393, %dma_wait3A_394] : memref<256x64xf32, #tpu.memory_space<vmem>> -> memref<128x64xf32, #tpu.memory_space<vmem>>
      %dma_wait3A_396 = arith.constant 0 : i32
      %dma_wait3A_397 = tpu.memref_slice %arg5[%add3A_382, %dma_wait3A_396] : memref<200x128xi32, #tpu.memory_space<vmem>> -> memref<1x128xi32, #tpu.memory_space<vmem>>
      %dma_wait3A_398 = tpu.memref_squeeze %dma_wait3A_397 : memref<1x128xi32, #tpu.memory_space<vmem>> -> memref<128xi32, #tpu.memory_space<vmem>>
      %dma_wait3A_399 = arith.constant 0 : i32
      %dma_wait3A_400 = arith.constant 0 : i32
      %dma_wait3A_401 = tpu.memref_slice %arg3[%dma_wait3A_399, %dma_wait3A_400] : memref<1000000x64xf32, #tpu.memory_space<hbm>> -> memref<1000000x64xf32, #tpu.memory_space<hbm>>
      %dma_wait3A_402 = tpu.memref_slice %arg7[%dma_wait3A_388] : memref<4x!tpu.dma_semaphore, #tpu.memory_space<semaphore_mem>> -> memref<1x!tpu.dma_semaphore, #tpu.memory_space<semaphore_mem>>
      %dma_wait3A_403 = tpu.memref_squeeze %dma_wait3A_402 : memref<1x!tpu.dma_semaphore, #tpu.memory_space<semaphore_mem>> -> memref<!tpu.dma_semaphore, #tpu.memory_space<semaphore_mem>>
      tpu.wait_indirect_dma semaphore(%dma_wait3A_403 : memref<!tpu.dma_semaphore, #tpu.memory_space<semaphore_mem>>) src(%dma_wait3A_401 : memref<1000000x64xf32, #tpu.memory_space<hbm>>) dst(%dma_wait3A_395 : memref<128x64xf32, #tpu.memory_space<vmem>>)
      %dma_wait3A_404 = arith.constant 3 : i32
      %dma_wait3A_405 = arith.constant 3 : i32
      %dma_wait3A_406 = arith.constant 0 : i32
      %dma_wait3A_407 = arith.constant 0 : i32
      %dma_wait3A_408 = tpu.memref_slice %arg6[%dma_wait3A_404, %dma_wait3A_406, %dma_wait3A_407] : memref<4x256x64xf32, #tpu.memory_space<vmem>> -> memref<1x256x64xf32, #tpu.memory_space<vmem>>
      %dma_wait3A_409 = tpu.memref_squeeze %dma_wait3A_408 : memref<1x256x64xf32, #tpu.memory_space<vmem>> -> memref<256x64xf32, #tpu.memory_space<vmem>>
      %dma_wait3A_410 = arith.constant 128 : i32
      %dma_wait3A_411 = arith.constant 0 : i32
      %dma_wait3A_412 = tpu.memref_slice %dma_wait3A_409[%dma_wait3A_410, %dma_wait3A_411] : memref<256x64xf32, #tpu.memory_space<vmem>> -> memref<128x64xf32, #tpu.memory_space<vmem>>
      %dma_wait3A_413 = arith.constant 0 : i32
      %dma_wait3A_414 = tpu.memref_slice %arg5[%add3A_386, %dma_wait3A_413] : memref<200x128xi32, #tpu.memory_space<vmem>> -> memref<1x128xi32, #tpu.memory_space<vmem>>
      %dma_wait3A_415 = tpu.memref_squeeze %dma_wait3A_414 : memref<1x128xi32, #tpu.memory_space<vmem>> -> memref<128xi32, #tpu.memory_space<vmem>>
      %dma_wait3A_416 = arith.constant 0 : i32
      %dma_wait3A_417 = arith.constant 0 : i32
      %dma_wait3A_418 = tpu.memref_slice %arg3[%dma_wait3A_416, %dma_wait3A_417] : memref<1000000x64xf32, #tpu.memory_space<hbm>> -> memref<1000000x64xf32, #tpu.memory_space<hbm>>
      %dma_wait3A_419 = tpu.memref_slice %arg7[%dma_wait3A_405] : memref<4x!tpu.dma_semaphore, #tpu.memory_space<semaphore_mem>> -> memref<1x!tpu.dma_semaphore, #tpu.memory_space<semaphore_mem>>
      %dma_wait3A_420 = tpu.memref_squeeze %dma_wait3A_419 : memref<1x!tpu.dma_semaphore, #tpu.memory_space<semaphore_mem>> -> memref<!tpu.dma_semaphore, #tpu.memory_space<semaphore_mem>>
      tpu.wait_indirect_dma semaphore(%dma_wait3A_420 : memref<!tpu.dma_semaphore, #tpu.memory_space<semaphore_mem>>) src(%dma_wait3A_418 : memref<1000000x64xf32, #tpu.memory_space<hbm>>) dst(%dma_wait3A_412 : memref<128x64xf32, #tpu.memory_space<vmem>>)
      %scan3A_421 = arith.constant 0 : i32
      %scan3A_422 = arith.constant 256 : i32
      %scan3A_423 = arith.addi %scan3A_421, %scan3A_422 : i32
      %scan3A_424 = arith.constant 1 : i32
      scf.for %scan3A_459 = %scan3A_421 to %scan3A_423 step %scan3A_424  : i32 {
        %get3A = arith.constant 3 : i32
        %get3A_460 = arith.index_cast %get3A : i32 to index
        %get3A_461 = arith.index_cast %scan3A_459 : i32 to index
        %get3A_462 = arith.constant 0 : index
        %get3A_463 = tpu.vector_load %arg6[%get3A_460, %get3A_461, %get3A_462] {strides = array<i32>} : memref<4x256x64xf32, #tpu.memory_space<vmem>>, vector<1x1x16xf32>,
        %get3A_464 = vector.shape_cast %get3A_463 : vector<1x1x16xf32> to vector<16xf32>
        %mul3A_465 = arith.constant 8.000000e+00 : f32
        %mul3A_466 = vector.broadcast %mul3A_465 : f32 to vector<16xf32>
        %mul3A_467 = arith.mulf %get3A_464, %mul3A_466 : vector<16xf32>
        %swap3A = arith.constant 3 : i32
        %swap3A_468 = arith.index_cast %swap3A : i32 to index
        %swap3A_469 = arith.index_cast %scan3A_459 : i32 to index
        %swap3A_470 = arith.constant 0 : index
        %swap3A_471 = tpu.vector_load %arg6[%swap3A_468, %swap3A_469, %swap3A_470] {strides = array<i32>} : memref<4x256x64xf32, #tpu.memory_space<vmem>>, vector<1x1x16xf32>,
        %swap3A_472 = vector.shape_cast %swap3A_471 : vector<1x1x16xf32> to vector<16xf32>
        %swap3A_473 = vector.shape_cast %mul3A_467 : vector<16xf32> to vector<1x1x16xf32>
        tpu.vector_store %arg6[%swap3A_468, %swap3A_469, %swap3A_470], %swap3A_473 {strides = array<i32>} : memref<4x256x64xf32, #tpu.memory_space<vmem>>, vector<1x1x16xf32>,
        %get3A_474 = arith.constant 3 : i32
        %get3A_475 = arith.index_cast %get3A_474 : i32 to index
        %get3A_476 = arith.index_cast %scan3A_459 : i32 to index
        %get3A_477 = arith.constant 16 : index
        %get3A_478 = tpu.vector_load %arg6[%get3A_475, %get3A_476, %get3A_477] {strides = array<i32>} : memref<4x256x64xf32, #tpu.memory_space<vmem>>, vector<1x1x16xf32>,
        %get3A_479 = vector.shape_cast %get3A_478 : vector<1x1x16xf32> to vector<16xf32>
        %mul3A_480 = arith.constant 8.000000e+00 : f32
        %mul3A_481 = vector.broadcast %mul3A_480 : f32 to vector<16xf32>
        %mul3A_482 = arith.mulf %get3A_479, %mul3A_481 : vector<16xf32>
        %swap3A_483 = arith.constant 3 : i32
        %swap3A_484 = arith.index_cast %swap3A_483 : i32 to index
        %swap3A_485 = arith.index_cast %scan3A_459 : i32 to index
        %swap3A_486 = arith.constant 16 : index
        %swap3A_487 = tpu.vector_load %arg6[%swap3A_484, %swap3A_485, %swap3A_486] {strides = array<i32>} : memref<4x256x64xf32, #tpu.memory_space<vmem>>, vector<1x1x16xf32>,
        %swap3A_488 = vector.shape_cast %swap3A_487 : vector<1x1x16xf32> to vector<16xf32>
        %swap3A_489 = vector.shape_cast %mul3A_482 : vector<16xf32> to vector<1x1x16xf32>
        tpu.vector_store %arg6[%swap3A_484, %swap3A_485, %swap3A_486], %swap3A_489 {strides = array<i32>} : memref<4x256x64xf32, #tpu.memory_space<vmem>>, vector<1x1x16xf32>,
        %get3A_490 = arith.constant 3 : i32
        %get3A_491 = arith.index_cast %get3A_490 : i32 to index
        %get3A_492 = arith.index_cast %scan3A_459 : i32 to index
        %get3A_493 = arith.constant 32 : index
        %get3A_494 = tpu.vector_load %arg6[%get3A_491, %get3A_492, %get3A_493] {strides = array<i32>} : memref<4x256x64xf32, #tpu.memory_space<vmem>>, vector<1x1x16xf32>,
        %get3A_495 = vector.shape_cast %get3A_494 : vector<1x1x16xf32> to vector<16xf32>
        %mul3A_496 = arith.constant 8.000000e+00 : f32
        %mul3A_497 = vector.broadcast %mul3A_496 : f32 to vector<16xf32>
        %mul3A_498 = arith.mulf %get3A_495, %mul3A_497 : vector<16xf32>
        %swap3A_499 = arith.constant 3 : i32
        %swap3A_500 = arith.index_cast %swap3A_499 : i32 to index
        %swap3A_501 = arith.index_cast %scan3A_459 : i32 to index
        %swap3A_502 = arith.constant 32 : index
        %swap3A_503 = tpu.vector_load %arg6[%swap3A_500, %swap3A_501, %swap3A_502] {strides = array<i32>} : memref<4x256x64xf32, #tpu.memory_space<vmem>>, vector<1x1x16xf32>,
        %swap3A_504 = vector.shape_cast %swap3A_503 : vector<1x1x16xf32> to vector<16xf32>
        %swap3A_505 = vector.shape_cast %mul3A_498 : vector<16xf32> to vector<1x1x16xf32>
        tpu.vector_store %arg6[%swap3A_500, %swap3A_501, %swap3A_502], %swap3A_505 {strides = array<i32>} : memref<4x256x64xf32, #tpu.memory_space<vmem>>, vector<1x1x16xf32>,
        %get3A_506 = arith.constant 3 : i32
        %get3A_507 = arith.index_cast %get3A_506 : i32 to index
        %get3A_508 = arith.index_cast %scan3A_459 : i32 to index
        %get3A_509 = arith.constant 48 : index
        %get3A_510 = tpu.vector_load %arg6[%get3A_507, %get3A_508, %get3A_509] {strides = array<i32>} : memref<4x256x64xf32, #tpu.memory_space<vmem>>, vector<1x1x16xf32>,
        %get3A_511 = vector.shape_cast %get3A_510 : vector<1x1x16xf32> to vector<16xf32>
        %mul3A_512 = arith.constant 8.000000e+00 : f32
        %mul3A_513 = vector.broadcast %mul3A_512 : f32 to vector<16xf32>
        %mul3A_514 = arith.mulf %get3A_511, %mul3A_513 : vector<16xf32>
        %swap3A_515 = arith.constant 3 : i32
        %swap3A_516 = arith.index_cast %swap3A_515 : i32 to index
        %swap3A_517 = arith.index_cast %scan3A_459 : i32 to index
        %swap3A_518 = arith.constant 48 : index
        %swap3A_519 = tpu.vector_load %arg6[%swap3A_516, %swap3A_517, %swap3A_518] {strides = array<i32>} : memref<4x256x64xf32, #tpu.memory_space<vmem>>, vector<1x1x16xf32>,
        %swap3A_520 = vector.shape_cast %swap3A_519 : vector<1x1x16xf32> to vector<16xf32>
        %swap3A_521 = vector.shape_cast %mul3A_514 : vector<16xf32> to vector<1x1x16xf32>
        tpu.vector_store %arg6[%swap3A_516, %swap3A_517, %swap3A_518], %swap3A_521 {strides = array<i32>} : memref<4x256x64xf32, #tpu.memory_space<vmem>>, vector<1x1x16xf32>,
      }
      %scan3A_425 = arith.constant 256 : i32
      %mul3A_426 = arith.constant 256 : i32
      %mul3A_427 = arith.muli %add3A_378, %mul3A_426 : i32
      %add3A_428 = arith.addi %mul3A_2, %mul3A_427 : i32
      %dma_start3A_429 = arith.constant 3 : i32
      %dma_start3A_430 = arith.constant 3 : i32
      %dma_start3A_431 = arith.constant 0 : i32
      %dma_start3A_432 = arith.constant 0 : i32
      %dma_start3A_433 = tpu.memref_slice %arg6[%dma_start3A_429, %dma_start3A_431, %dma_start3A_432] : memref<4x256x64xf32, #tpu.memory_space<vmem>> -> memref<1x256x64xf32, #tpu.memory_space<vmem>>
      %dma_start3A_434 = tpu.memref_squeeze %dma_start3A_433 : memref<1x256x64xf32, #tpu.memory_space<vmem>> -> memref<256x64xf32, #tpu.memory_space<vmem>>
      %dma_start3A_435 = arith.constant 0 : i32
      %dma_start3A_436 = tpu.memref_slice %arg4[%add3A_428, %dma_start3A_435] : memref<819200x64xf32, #tpu.memory_space<hbm>> -> memref<256x64xf32, #tpu.memory_space<hbm>>
      %dma_start3A_437 = tpu.memref_slice %arg8[%dma_start3A_430] : memref<4x!tpu.dma_semaphore, #tpu.memory_space<semaphore_mem>> -> memref<1x!tpu.dma_semaphore, #tpu.memory_space<semaphore_mem>>
      %dma_start3A_438 = tpu.memref_squeeze %dma_start3A_437 : memref<1x!tpu.dma_semaphore, #tpu.memory_space<semaphore_mem>> -> memref<!tpu.dma_semaphore, #tpu.memory_space<semaphore_mem>>
      %dma_start3A_439 = arith.constant 0 : i32
      %dma_start3A_440 = tpu.memref_slice %arg4[%add3A_428, %dma_start3A_439] : memref<819200x64xf32, #tpu.memory_space<hbm>> -> memref<256x64xf32, #tpu.memory_space<hbm>>
      %dma_start3A_441 = arith.constant 0 : i32
      %dma_start3A_442 = arith.constant 0 : i32
      %dma_start3A_443 = tpu.memref_slice %arg6[%dma_start3A_429, %dma_start3A_441, %dma_start3A_442] : memref<4x256x64xf32, #tpu.memory_space<vmem>> -> memref<1x256x64xf32, #tpu.memory_space<vmem>>
      %dma_start3A_444 = tpu.memref_squeeze %dma_start3A_443 : memref<1x256x64xf32, #tpu.memory_space<vmem>> -> memref<256x64xf32, #tpu.memory_space<vmem>>
      tpu.enqueue_dma source(%dma_start3A_444 : memref<256x64xf32, #tpu.memory_space<vmem>>) target(%dma_start3A_440 : memref<256x64xf32, #tpu.memory_space<hbm>>) target_semaphore(%dma_start3A_438 : memref<!tpu.dma_semaphore, #tpu.memory_space<semaphore_mem>>)
      %gt3A_445 = arith.constant 0 : i32
      %gt3A_446 = arith.cmpi sgt, %add3A_378, %gt3A_445 : i32
      %convert_element_type3A_447 = arith.extui %gt3A_446 : i1 to i32
      %cond3A_448 = arith.constant 0 : i32
      %cond3A_449 = arith.cmpi ne, %convert_element_type3A_447, %cond3A_448 : i32
      scf.if %cond3A_449 {
        %sub3A_459 = arith.constant 1 : i32
        %sub3A_460 = arith.subi %add3A_378, %sub3A_459 : i32
        %mul3A_461 = arith.constant 256 : i32
        %mul3A_462 = arith.muli %sub3A_460, %mul3A_461 : i32
        %add3A_463 = arith.addi %mul3A_2, %mul3A_462 : i32
        %dma_wait3A_464 = arith.constant 2 : i32
        %dma_wait3A_465 = arith.constant 2 : i32
        %dma_wait3A_466 = arith.constant 0 : i32
        %dma_wait3A_467 = arith.constant 0 : i32
        %dma_wait3A_468 = tpu.memref_slice %arg6[%dma_wait3A_464, %dma_wait3A_466, %dma_wait3A_467] : memref<4x256x64xf32, #tpu.memory_space<vmem>> -> memref<1x256x64xf32, #tpu.memory_space<vmem>>
        %dma_wait3A_469 = tpu.memref_squeeze %dma_wait3A_468 : memref<1x256x64xf32, #tpu.memory_space<vmem>> -> memref<256x64xf32, #tpu.memory_space<vmem>>
        %dma_wait3A_470 = arith.constant 0 : i32
        %dma_wait3A_471 = tpu.memref_slice %arg4[%add3A_463, %dma_wait3A_470] : memref<819200x64xf32, #tpu.memory_space<hbm>> -> memref<256x64xf32, #tpu.memory_space<hbm>>
        %dma_wait3A_472 = tpu.memref_slice %arg8[%dma_wait3A_465] : memref<4x!tpu.dma_semaphore, #tpu.memory_space<semaphore_mem>> -> memref<1x!tpu.dma_semaphore, #tpu.memory_space<semaphore_mem>>
        %dma_wait3A_473 = tpu.memref_squeeze %dma_wait3A_472 : memref<1x!tpu.dma_semaphore, #tpu.memory_space<semaphore_mem>> -> memref<!tpu.dma_semaphore, #tpu.memory_space<semaphore_mem>>
        %dma_wait3A_474 = arith.constant 0 : i32
        %dma_wait3A_475 = tpu.memref_slice %arg4[%add3A_463, %dma_wait3A_474] : memref<819200x64xf32, #tpu.memory_space<hbm>> -> memref<256x64xf32, #tpu.memory_space<hbm>>
        %dma_wait3A_476 = arith.constant 0 : i32
        %dma_wait3A_477 = arith.constant 0 : i32
        %dma_wait3A_478 = tpu.memref_slice %arg6[%dma_wait3A_464, %dma_wait3A_476, %dma_wait3A_477] : memref<4x256x64xf32, #tpu.memory_space<vmem>> -> memref<1x256x64xf32, #tpu.memory_space<vmem>>
        %dma_wait3A_479 = tpu.memref_squeeze %dma_wait3A_478 : memref<1x256x64xf32, #tpu.memory_space<vmem>> -> memref<256x64xf32, #tpu.memory_space<vmem>>
        tpu.wait_dma2 semaphore(%dma_wait3A_473 : memref<!tpu.dma_semaphore, #tpu.memory_space<semaphore_mem>>) src(%dma_wait3A_479 : memref<256x64xf32, #tpu.memory_space<vmem>>) dst(%dma_wait3A_475 : memref<256x64xf32, #tpu.memory_space<hbm>>)
      } else {
      }
      %add3A_450 = arith.constant 4 : i32
      %add3A_451 = arith.addi %add3A_378, %add3A_450 : i32
      %sub3A_452 = arith.constant 1 : i32
      %sub3A_453 = arith.subi %add3A_451, %sub3A_452 : i32
      %lt3A_454 = arith.constant 100 : i32
      %lt3A_455 = arith.cmpi slt, %sub3A_453, %lt3A_454 : i32
      %convert_element_type3A_456 = arith.extui %lt3A_455 : i1 to i32
      %cond3A_457 = arith.constant 0 : i32
      %cond3A_458 = arith.cmpi ne, %convert_element_type3A_456, %cond3A_457 : i32
      scf.if %cond3A_458 {
        %add3A_459 = arith.constant 4 : i32
        %add3A_460 = arith.addi %add3A_378, %add3A_459 : i32
        %sub3A_461 = arith.constant 1 : i32
        %sub3A_462 = arith.subi %add3A_460, %sub3A_461 : i32
        %mul3A_463 = arith.constant 2 : i32
        %mul3A_464 = arith.muli %sub3A_462, %mul3A_463 : i32
        %add3A_465 = arith.constant 0 : i32
        %add3A_466 = arith.addi %mul3A_464, %add3A_465 : i32
        %mul3A_467 = arith.constant 2 : i32
        %mul3A_468 = arith.muli %sub3A_462, %mul3A_467 : i32
        %add3A_469 = arith.constant 1 : i32
        %add3A_470 = arith.addi %mul3A_468, %add3A_469 : i32
        %dma_start3A_471 = arith.constant 2 : i32
        %dma_start3A_472 = arith.constant 2 : i32
        %dma_start3A_473 = arith.constant 0 : i32
        %dma_start3A_474 = arith.constant 0 : i32
        %dma_start3A_475 = tpu.memref_slice %arg6[%dma_start3A_471, %dma_start3A_473, %dma_start3A_474] : memref<4x256x64xf32, #tpu.memory_space<vmem>> -> memref<1x256x64xf32, #tpu.memory_space<vmem>>
        %dma_start3A_476 = tpu.memref_squeeze %dma_start3A_475 : memref<1x256x64xf32, #tpu.memory_space<vmem>> -> memref<256x64xf32, #tpu.memory_space<vmem>>
        %dma_start3A_477 = arith.constant 0 : i32
        %dma_start3A_478 = arith.constant 0 : i32
        %dma_start3A_479 = tpu.memref_slice %dma_start3A_476[%dma_start3A_477, %dma_start3A_478] : memref<256x64xf32, #tpu.memory_space<vmem>> -> memref<128x64xf32, #tpu.memory_space<vmem>>
        %dma_start3A_480 = arith.constant 0 : i32
        %dma_start3A_481 = tpu.memref_slice %arg5[%add3A_466, %dma_start3A_480] : memref<200x128xi32, #tpu.memory_space<vmem>> -> memref<1x128xi32, #tpu.memory_space<vmem>>
        %dma_start3A_482 = tpu.memref_squeeze %dma_start3A_481 : memref<1x128xi32, #tpu.memory_space<vmem>> -> memref<128xi32, #tpu.memory_space<vmem>>
        %dma_start3A_483 = arith.constant 0 : i32
        %dma_start3A_484 = arith.constant 0 : i32
        %dma_start3A_485 = tpu.memref_slice %arg3[%dma_start3A_483, %dma_start3A_484] : memref<1000000x64xf32, #tpu.memory_space<hbm>> -> memref<1000000x64xf32, #tpu.memory_space<hbm>>
        %dma_start3A_486 = tpu.memref_slice %arg7[%dma_start3A_472] : memref<4x!tpu.dma_semaphore, #tpu.memory_space<semaphore_mem>> -> memref<1x!tpu.dma_semaphore, #tpu.memory_space<semaphore_mem>>
        %dma_start3A_487 = tpu.memref_squeeze %dma_start3A_486 : memref<1x!tpu.dma_semaphore, #tpu.memory_space<semaphore_mem>> -> memref<!tpu.dma_semaphore, #tpu.memory_space<semaphore_mem>>
        tpu.enqueue_indirect_dma source(%dma_start3A_485 : memref<1000000x64xf32, #tpu.memory_space<hbm>>) target(%dma_start3A_479 : memref<128x64xf32, #tpu.memory_space<vmem>>) offsets(%dma_start3A_482 : memref<128xi32, #tpu.memory_space<vmem>>) semaphore(%dma_start3A_487 : memref<!tpu.dma_semaphore, #tpu.memory_space<semaphore_mem>>)
        %dma_start3A_488 = arith.constant 2 : i32
        %dma_start3A_489 = arith.constant 2 : i32
        %dma_start3A_490 = arith.constant 0 : i32
        %dma_start3A_491 = arith.constant 0 : i32
        %dma_start3A_492 = tpu.memref_slice %arg6[%dma_start3A_488, %dma_start3A_490, %dma_start3A_491] : memref<4x256x64xf32, #tpu.memory_space<vmem>> -> memref<1x256x64xf32, #tpu.memory_space<vmem>>
        %dma_start3A_493 = tpu.memref_squeeze %dma_start3A_492 : memref<1x256x64xf32, #tpu.memory_space<vmem>> -> memref<256x64xf32, #tpu.memory_space<vmem>>
        %dma_start3A_494 = arith.constant 128 : i32
        %dma_start3A_495 = arith.constant 0 : i32
        %dma_start3A_496 = tpu.memref_slice %dma_start3A_493[%dma_start3A_494, %dma_start3A_495] : memref<256x64xf32, #tpu.memory_space<vmem>> -> memref<128x64xf32, #tpu.memory_space<vmem>>
        %dma_start3A_497 = arith.constant 0 : i32
        %dma_start3A_498 = tpu.memref_slice %arg5[%add3A_470, %dma_start3A_497] : memref<200x128xi32, #tpu.memory_space<vmem>> -> memref<1x128xi32, #tpu.memory_space<vmem>>
        %dma_start3A_499 = tpu.memref_squeeze %dma_start3A_498 : memref<1x128xi32, #tpu.memory_space<vmem>> -> memref<128xi32, #tpu.memory_space<vmem>>
        %dma_start3A_500 = arith.constant 0 : i32
        %dma_start3A_501 = arith.constant 0 : i32
        %dma_start3A_502 = tpu.memref_slice %arg3[%dma_start3A_500, %dma_start3A_501] : memref<1000000x64xf32, #tpu.memory_space<hbm>> -> memref<1000000x64xf32, #tpu.memory_space<hbm>>
        %dma_start3A_503 = tpu.memref_slice %arg7[%dma_start3A_489] : memref<4x!tpu.dma_semaphore, #tpu.memory_space<semaphore_mem>> -> memref<1x!tpu.dma_semaphore, #tpu.memory_space<semaphore_mem>>
        %dma_start3A_504 = tpu.memref_squeeze %dma_start3A_503 : memref<1x!tpu.dma_semaphore, #tpu.memory_space<semaphore_mem>> -> memref<!tpu.dma_semaphore, #tpu.memory_space<semaphore_mem>>
        tpu.enqueue_indirect_dma source(%dma_start3A_502 : memref<1000000x64xf32, #tpu.memory_space<hbm>>) target(%dma_start3A_496 : memref<128x64xf32, #tpu.memory_space<vmem>>) offsets(%dma_start3A_499 : memref<128xi32, #tpu.memory_space<vmem>>) semaphore(%dma_start3A_504 : memref<!tpu.dma_semaphore, #tpu.memory_space<semaphore_mem>>)
      } else {
      }
    }
    %scan3A_115 = arith.constant 25 : i32
    %add3A_116 = arith.constant 25344 : i32
    %add3A_117 = arith.addi %mul3A_2, %add3A_116 : i32
    %dma_wait3A = arith.constant 3 : i32
    %dma_wait3A_118 = arith.constant 3 : i32
    %dma_wait3A_119 = arith.constant 0 : i32
    %dma_wait3A_120 = arith.constant 0 : i32
    %dma_wait3A_121 = tpu.memref_slice %arg6[%dma_wait3A, %dma_wait3A_119, %dma_wait3A_120] : memref<4x256x64xf32, #tpu.memory_space<vmem>> -> memref<1x256x64xf32, #tpu.memory_space<vmem>>
    %dma_wait3A_122 = tpu.memref_squeeze %dma_wait3A_121 : memref<1x256x64xf32, #tpu.memory_space<vmem>> -> memref<256x64xf32, #tpu.memory_space<vmem>>
    %dma_wait3A_123 = arith.constant 0 : i32
    %dma_wait3A_124 = tpu.memref_slice %arg4[%add3A_117, %dma_wait3A_123] : memref<819200x64xf32, #tpu.memory_space<hbm>> -> memref<256x64xf32, #tpu.memory_space<hbm>>
    %dma_wait3A_125 = tpu.memref_slice %arg8[%dma_wait3A_118] : memref<4x!tpu.dma_semaphore, #tpu.memory_space<semaphore_mem>> -> memref<1x!tpu.dma_semaphore, #tpu.memory_space<semaphore_mem>>
    %dma_wait3A_126 = tpu.memref_squeeze %dma_wait3A_125 : memref<1x!tpu.dma_semaphore, #tpu.memory_space<semaphore_mem>> -> memref<!tpu.dma_semaphore, #tpu.memory_space<semaphore_mem>>
    %dma_wait3A_127 = arith.constant 0 : i32
    %dma_wait3A_128 = tpu.memref_slice %arg4[%add3A_117, %dma_wait3A_127] : memref<819200x64xf32, #tpu.memory_space<hbm>> -> memref<256x64xf32, #tpu.memory_space<hbm>>
    %dma_wait3A_129 = arith.constant 0 : i32
    %dma_wait3A_130 = arith.constant 0 : i32
    %dma_wait3A_131 = tpu.memref_slice %arg6[%dma_wait3A, %dma_wait3A_129, %dma_wait3A_130] : memref<4x256x64xf32, #tpu.memory_space<vmem>> -> memref<1x256x64xf32, #tpu.memory_space<vmem>>
    %dma_wait3A_132 = tpu.memref_squeeze %dma_wait3A_131 : memref<1x256x64xf32, #tpu.memory_space<vmem>> -> memref<256x64xf32, #tpu.memory_space<vmem>>
    tpu.wait_dma2 semaphore(%dma_wait3A_126 : memref<!tpu.dma_semaphore, #tpu.memory_space<semaphore_mem>>) src(%dma_wait3A_132 : memref<256x64xf32, #tpu.memory_space<vmem>>) dst(%dma_wait3A_128 : memref<256x64xf32, #tpu.memory_space<hbm>>)
    return
  }
}

</mosaic_0001>

<sc_bundles>
// kernel: kernel.3.cloned.1.call-start
scs
__scs_entry_jumppad:
0x0: {  	(pc) =	sbr.rel $0x88, $3  }
0x1: {  	(tag) =	ssettag $0x0;
	lr =	simm.s32 $0x1  }
0x2: {  	[smem:$0x3F9F] =	sst lr;
	_ =	strace $0xD0000000  }
0x3: {  	_ = 	snop  }
0x4: {  	_ = 	snop  }
0x5: {  	_ = 	snop  }
0x6: {  	_ = 	snop  }
0x7: {  	_ = 	snop  }
__scs_overlays_trampoline_lowered:
0x8: {  	[smem:$0x3FAE] =	sst s0  }
0x9: {  	[smem:$0x3FAF] =	sst s1  }
0xa: {  	[smem:$0x3FB0] =	sst s2  }
0xb: {  	[smem:$0x3FB1] =	sst s3  }
0xc: {  	[smem:$0x3FB2] =	sst s4  }
0xd: {  	[smem:$0x3FB3] =	sst s5  }
0xe: {  	[smem:$0x3FB4] =	sst s6  }
0xf: {  	[smem:$0x3FB5] =	sst s7  }
0x10: {  	[smem:$0x3FB6] =	sst s8  }
0x11: {  	[smem:$0x3FB7] =	sst s9;
	s0 =	simm.s32 @!p0 $0x0  }
0x12: {  	s1 =	sld [smem:$0x3F9D];
	s0 =	simm.s32 @p0 $0x1  }
0x13: {  	[smem:$0x3FB8] =	sst s0;
	s0 =	simm.s32 @!p1 $0x0  }
0x14: {  	s2 =	sld [smem:$0x3F9C];
	s0 =	simm.s32 @p1 $0x1  }
0x15: {  	[smem:$0x3FB9] =	sst s0;
	s0 =	simm.s32 @!p2 $0x0  }
0x16: {  	s3 =	sld [smem:$0x3FDB];
	s0 =	simm.s32 @p2 $0x1  }
0x17: {  	s4 =	simm.s32 $0x1BF5;
	[smem:$0x3FBB] =	sst s0  }
0x18: {  	s0 =	sld [smem:$0x3F9E];
	_ =	swait.ge [sflag:s4], $0x0  }
0x19: {  	s7 =	sld [smem:$0x3F9F]  }
0x1a: {  	s8 =	sadd.s32 $0xFFFFE003, lr  }
0x1b: {  	s9 =	sadd.s32 $0xFFFFFEF7, lr;
	s5 =	simm.s32 $0xFFFFFFFF;
	p2 =	slt.u32 s8, $0xFFFFF086  }
0x1c: {  	p1 =	slt.u32 s9, $0xF7A;
	s5 =	simm.s32 @!p2 $0x0  }
0x1d: {  	s5 =	simm.s32 @p1 $0x1;
	p0 =	seq.s32 s7, s2  }
0x1e: {  	s7 =	smul.u32 @!p0 $0xF7A, s2;
	p2 =	seq.s32 @!p0 s5, $0x0  }
0x1f: {  	s9 =	smul.u32 $0xF7A, s1;
	s8 =	simm.s32 @!p0 $0x1BF5;
	p2 =	por !p2, p0  }
0x20: {  	[sflag:s8] =	ssyncset.s32 @!p0 $0xFFFFF086;
	s6 =	sadd.s32 @!p0 s3, s7;
	s7 =	simm.s32 @!p0 $0x108  }
0x21: {  	s3 =	sadd.s32 s3, s9;
	s6 =	sadd.s32 @!p0 $0x88, s6;
	s7 =	simm.s32 @p2 $0x1082  }
0x22: {  	[simem:s7], [sflag:s8] =	dma.local @!p0 [hbm:s6], $0xF7A  }
0x23: {  	s9 =	sor.u32 $0xD0000000, s2;
	s6 =	simm.s32 $0x108;
	_ =	swait.ge @!p0 [sflag:s8], $0x0  }
0x24: {  	s3 =	sadd.s32 $0x88, s3;
	s6 =	simm.s32 @!p1 $0x1082;
	[sflag:s4] =	ssyncset.s32 $0xFFFFF086  }
0x25: {  	[simem:s6], [sflag:s4] =	dma.local [hbm:s3], $0xF7A  }
0x26: {  	[smem:$0x3F9F] =	sst s1;
	(tag) =	ssettag s2;
	_ =	strace s9  }
0x27: {  	s1 =	sld [smem:$0x3FAF]  }
0x28: {  	s2 =	sld [smem:$0x3FB0]  }
0x29: {  	s4 =	sld [smem:$0x3FB2]  }
0x2a: {  	p0 =	seq.s32 s5, $0x0;
	s5 =	sld [smem:$0x3FB3]  }
0x2b: {  	s6 =	sld [smem:$0x3FB4]  }
0x2c: {  	s7 =	sld [smem:$0x3FB5]  }
0x2d: {  	s3 =	simm.s32 $0x108;
	s8 =	sld [smem:$0x3FB6]  }
0x2e: {  	s3 =	simm.s32 @!p0 $0x1082;
	s9 =	sld [smem:$0x3FB7]  }
0x2f: {  	lr =	sadd.s32 s0, s3;
	s0 =	sld [smem:$0x3FAE]  }
0x30: {  	s3 =	sld [smem:$0x3FB1]  }
0x31: {  	[smem:$0x3FBA] =	sst s10  }
0x32: {  	s10 =	sld [smem:$0x3FB8];
	_ =	sdelay $0x3  }
0x33: {  	p0 =	seq.s32 s10, $0x1;
	s10 =	sld [smem:$0x3FBA];
	_ =	sdelay $0x3  }
0x34: {  	[smem:$0x3FBA] =	sst s10  }
0x35: {  	s10 =	sld [smem:$0x3FB9];
	_ =	sdelay $0x3  }
0x36: {  	p1 =	seq.s32 s10, $0x1;
	s10 =	sld [smem:$0x3FBA];
	_ =	sdelay $0x3  }
0x37: {  	[smem:$0x3FBA] =	sst s10  }
0x38: {  	s10 =	sld [smem:$0x3FBB]  }
0x39: {  	_ = 	snop;
	(pc) =	sbr.ind lr, $3  }
0x3a: {  	_ = 	snop  }
0x3b: {  	_ = 	snop  }
0x3c: {  	p2 =	seq.s32 s10, $0x1;
	s10 =	sld [smem:$0x3FBA]  }
0x3d: {  	_ =	shalt  }
0x3e: {  	_ =	shalt  }
0x3f: {  	_ =	shalt  }
0x40: {  	_ =	shalt  }
0x41: {  	_ =	shalt  }
0x42: {  	_ =	shalt  }
0x43: {  	_ =	shalt  }
0x44: {  	_ =	shalt  }
0x45: {  	_ =	shalt  }
0x46: {  	_ =	shalt  }
0x47: {  	_ =	shalt  }
0x48: {  	_ =	shalt  }
0x49: {  	_ =	shalt  }
0x4a: {  	_ =	shalt  }
0x4b: {  	_ =	shalt  }
0x4c: {  	_ =	shalt  }
0x4d: {  	_ =	shalt  }
0x4e: {  	_ =	shalt  }
0x4f: {  	_ =	shalt  }
0x50: {  	_ =	shalt  }
0x51: {  	_ =	shalt  }
0x52: {  	_ =	shalt  }
0x53: {  	_ =	shalt  }
0x54: {  	_ =	shalt  }
0x55: {  	_ =	shalt  }
0x56: {  	_ =	shalt  }
0x57: {  	_ =	shalt  }
0x58: {  	_ =	shalt  }
0x59: {  	_ =	shalt  }
0x5a: {  	_ =	shalt  }
0x5b: {  	_ =	shalt  }
0x5c: {  	_ =	shalt  }
0x5d: {  	_ =	shalt  }
0x5e: {  	_ =	shalt  }
0x5f: {  	_ =	shalt  }
0x60: {  	_ =	shalt  }
0x61: {  	_ =	shalt  }
0x62: {  	_ =	shalt  }
0x63: {  	_ =	shalt  }
0x64: {  	_ =	shalt  }
0x65: {  	_ =	shalt  }
0x66: {  	_ =	shalt  }
0x67: {  	_ =	shalt  }
0x68: {  	_ =	shalt  }
0x69: {  	_ =	shalt  }
0x6a: {  	_ =	shalt  }
0x6b: {  	_ =	shalt  }
0x6c: {  	_ =	shalt  }
0x6d: {  	_ =	shalt  }
0x6e: {  	_ =	shalt  }
0x6f: {  	_ =	shalt  }
0x70: {  	_ =	shalt  }
0x71: {  	_ =	shalt  }
0x72: {  	_ =	shalt  }
0x73: {  	_ =	shalt  }
0x74: {  	_ =	shalt  }
0x75: {  	_ =	shalt  }
0x76: {  	_ =	shalt  }
0x77: {  	_ =	shalt  }
0x78: {  	_ =	shalt  }
0x79: {  	_ =	shalt  }
0x7a: {  	_ =	shalt  }
0x7b: {  	_ =	shalt  }
0x7c: {  	_ =	shalt  }
0x7d: {  	_ =	shalt  }
0x7e: {  	_ =	shalt  }
0x7f: {  	_ =	shalt  }
0x80: {  	_ =	shalt  }
0x81: {  	_ =	shalt  }
0x82: {  	_ =	shalt  }
0x83: {  	_ =	shalt  }
0x84: {  	_ =	shalt  }
0x85: {  	_ =	shalt  }
0x86: {  	_ =	shalt  }
0x87: {  	_ =	shalt  }
.Lfunc_end0:
.L_simem_size_0:
called_computation.1_lowered:
.L_overlay_start_0:
0x88: {  	s2 =	sld [smem:$0x3FD9]  }
0x89: {  	s3 =	sld [smem:$0x3FFE];
	_ =	sdelay $0x1  }
0x8a: {  	s1 =	srdreg.scid  }
0x8b: {  	s0 =	sand.u32 $0x1, s1  }
0x8c: {  	s17 =	sshll.u32 s0, $0xA;
	s2 =	sadd.s32 s3, s2  }
0x8d: {  	s2 =	sadd.s32 s2, s17  }
0x8e: {  	[smem:$0x3FC6] =	sst s2  }
0x8f: {  	_ = 	snop  }
0x90: {  	s2 =	sld [smem:$0x3FD0];
	(tm) =	ssettm $0x1  }
0x91: {  	s18 =	sld [smem:$0x3FFB];
	_ =	sdelay $0x3  }
0x92: {  	_ =	strace s18  }
0x93: {  	s3 =	sld [smem:$0x3FFC];
	_ =	sdelay $0x3  }
0x94: {  	_ =	strace s3  }
0x95: {  	s3 =	sld [smem:$0x3FFD];
	_ =	sdelay $0x3  }
0x96: {  	_ =	strace s3  }
0x97: {  	_ =	strace $0x8FFFFFFF  }
0x98: {  	s19 =	sld [smem:$0x3FDB];
	_ =	sdelay $0x1  }
0x99: {  	s4 =	simm.s32 $_scs_section_size  }
0x9a: {  	s5 =	simm.s32 $_size__tile_overlayer_lowered;
	s6 =	simm.s32 $_tile_overlayer_lowered  }
0x9b: {  	s22 =	simm.s32 $0x1BFF;
	s21 =	sshll.u32 s6, $0x1;
	s3 =	sadd.s32 s4, s19  }
0x9c: {  	s7 =	simm.s32 $0x0;
	s20 =	sshll.u32 s5, $0x1;
	s5 =	sadd.s32 s21, s3  }
0x9d: {  	[timem:s7], [sflag:s22] =	dma.local [hbm:s5], s20  }
0x9e: {  	_ =	swait.ge [sflag:s22], s20  }
0x9f: {  	s4 =	ssub.s32 $0x0, s20;
	[sflag:s22] =	ssyncset.done $0x0  }
0xa0: {  	[sflag:s22] =	ssyncadd.s32 s4;
	_ =	sdelay $0x1  }
0xa1: {  	s23 =	simm.s32 $0x1B8B  }
0xa2: {  	_ =	swait.ge [sflag:s23], $0x1  }
0xa3: {  	[sflag:s23] =	ssyncset.done $0x0  }
0xa4: {  	s25 =	simm.s32 $0x1B8E;
	s24 =	sld [smem:$0x3FFE];
	[sflag:s23] =	ssyncadd.s32 $0xFFFFFFFF  }
0xa5: {  	s26 =	simm.s32 $execute0_lowered;
	[smem:$0x3FD2] =	sst s25  }
0xa6: {  	s5 =	sshll.u32 s26, $0x1;
	_ =	strace $0x80000046;
	[dreg:$0x1] =	wrdreg $0xFFFFFFFF  }
0xa7: {  	s28 =	simm.s32 $_size_execute0_lowered;
	s3 =	sadd.s32 s3, s5;
	[dreg:$0x0] =	wrdreg $0x0  }
0xa8: {  	s5 =	sshll.u32 s28, $0x1;
	[dreg:$0x2] =	wrdreg s3  }
0xa9: {  	[dreg:$0x3] =	wrdreg s5  }
0xaa: {  	[dreg:$0x4] =	wrdreg $0xC0  }
0xab: {  	_ =	task [dreg:s7], $0x5FFFF  }
0xac: {  	[dreg:$0x1] =	wrdreg $0xFFFFFFFF  }
0xad: {  	[dreg:$0x0] =	wrdreg $0x60  }
0xae: {  	[dreg:$0x2] =	wrdreg s24  }
0xaf: {  	[dreg:$0x3] =	wrdreg s2  }
0xb0: {  	[dreg:$0x4] =	wrdreg $0x9  }
0xb1: {  	_ =	task.clear_ibuf [dreg:s7], $0x5FFFF;
	_ =	strace $0x90000046  }
0xb2: {  	s29 =	simm.s32 $0x9;
	_ =	strace $0x80000048  }
0xb3: {  	_ =	swait.ge [sflag:s29], $0x1  }
0xb4: {  	[sflag:s29] =	ssyncadd.s32 $0xFFFFFFFF  }
0xb5: {  	_ =	strace $0x90000048  }
0xb6: {  	_ =	sfence  }
0xb7: {  	s30 =	sld [smem:$0x0];
	_ =	sdelay $0x2  }
0xb8: {  	s31 =	sshll.u32 s1, $0xD;
	s1 =	sshrl.u32 s1, $0x2  }
0xb9: {  	s3 =	sand.u32 $0x4000, s31;
	s1 =	sadd.s32 s1, s30  }
0xba: {  	s0 =	sor.u32 s3, s0;
	s1 =	sshll.u32 s1, $0x11  }
0xbb: {  	s0 =	sor.u32 s1, s0  }
0xbc: {  	s0 =	sadd.s32 $0x8F2B, s0  }
0xbd: {  	[sflag:s0] =	ssyncadd.remote.s32 $0x1  }
0xbe: {  	_ =	sfence.sel $0xFFFF  }
0xbf: {  	[dreg:$0x0] =	wrdreg $0xFFFFFFFF;
	(pc) =	sbr.abs _section_cstart, $3  }
0xc0: {  	[dreg:$0x1] =	wrdreg $0xFFFFFFFF  }
0xc1: {  	_ =	task.clear_ibuf [dreg:s7], $0x2FFFF;
	_ =	strace $0x9FFFFFFF  }
0xc2: {  	(tm) =	ssettm $0x7FFFFFFF  }
0xc3: {  	_ =	shalt  }
tec
execute0_lowered:
.L_overlay_start_1:
0x0: {  	(tag) =	ssettag $0x1  }
0x1: {  	s0 =	rddreg [dreg:$0x0];
	s1 =	srdreg.scid  }
0x2: {  	s3 =	stileid.u32;
	s2 =	rddreg [dreg:$0x1]  }
0x3: {  	s10 =	simm.s32 $0x9;
	s11 =	simm.s32 $0x80;
	s12 =	simm.s32 $0x6400  }
0x4: {  	s15 =	simm.s32 $0xA400;
	s19 =	simm.s32 $0xE400;
	s21 =	simm.s32 $0x10400  }
0x5: {  	s22 =	simm.s32 $0x1;
	s23 =	simm.s32 $0x12400;
	s24 =	simm.s32 $0x14400  }
0x6: {  	s28 =	simm.s32 $0x3;
	s1 =	sand.u32 $0x1, s1;
	s4 =	sshll.u32 s3, $0x1  }
0x7: {  	s29 =	simm.s32 $0x6;
	s30 =	simm.s32 $0x4;
	s4 =	sor.u32 s1, s4  }
0x8: {  	s31 =	simm.s32 $0x7;
	s3 =	simm.s32 $0x0;
	s5 =	smul.u32 $0xC80, s4  }
0x9: {  	[smem:$0x7FF] =	sst s3;
	s1 =	ssub.s32 $0x2, s1;
	s4 =	smul.u32 $0x190000, s4  }
.Ltmp0:
0xa: {  	_ =	strace $0x80000047;
	s6 =	sshrl.u32 s1, $0x1;
	(pc) =	sbr.rel .LBB2_1-.Ltmp0, $4  }
0xb: {  	s25 =	ssub.s32 s1, s6;
	s1 =	simm.s32 $0x8;
	s7 =	sadd.s32 s5, s0  }
0xc: {  	s5 =	sadd.s32 $0xF42E00, s0;
	s8 =	sor.u32 $0x8000, s4;
	s9 =	smax.u32 s25, $0x1  }
0xd: {  	s25 =	simm.s32 $0x2;
	s0 =	simm.s32 $0x0;
	s26 =	sadd.s32 $0xA00, s7  }
0xe: {  	s7 =	sor.u32 $0x4000, s4;
	[dreg:$0x3] =	wrdreg s26;
	s26 =	simm.s32 $0x5  }
.LBB2_12:
0xf: {  	s0 =	sadd.s32 $0x1, s0  }
0x10: {  	p0 =	sne.s32 s0, s9  }
.Ltmp1:
0x11: {  	_ = 	snop;
	(pc) =	sbr.rel @!p0 .LBB2_13-.Ltmp1, $4  }
0x12: {  	_ = 	snop  }
0x13: {  	_ =	swait.ge [sflag:s1], $0x4000  }
0x14: {  	[sflag:s1] =	ssyncset.done $0x0  }
0x15: {  	[sflag:s1] =	ssyncadd.s32 $0xFFFFC000  }
.LBB2_1:
0x16: {  	s6 =	rddreg [dreg:$0x3]  }
0x17: {  	[tilespmem:s3], [sflag:$0x9] =	stream.linear.gather [hbm4b:s6+s3], $0x6400, $0x38;
	[tilespmem:$0x16400] =	vst v63  }
0x18: {  	_ =	swait.ge [sflag:s10], $0x6400  }
0x19: {  	[sflag:s10] =	ssyncset.done $0x0  }
0x1a: {  	[sflag:s10] =	ssyncadd.s32 $0xFFFF9C00  }
0x1b: {  	[tilespmem:s12], [sflag:$0x1] =	stream.indirect.gather [hbm4b:s5+s11], $0x40, s3, s11, $0xb8;
	[tilespmem:$0x16400] =	vst v63  }
0x1c: {  	s14 =	simm.s32 $0x8400  }
0x1d: {  	[tilespmem:s14], [sflag:$0x1] =	stream.indirect.gather [hbm4b:s5+s11], $0x40, s11, s11, $0xb8;
	[tilespmem:$0x16400] =	vst v63  }
0x1e: {  	s16 =	simm.s32 $0x100  }
0x1f: {  	[tilespmem:s15], [sflag:$0x2] =	stream.indirect.gather [hbm4b:s5+s11], $0x40, s16, s11, $0xb8;
	[tilespmem:$0x16400] =	vst v63  }
0x20: {  	s17 =	simm.s32 $0x180;
	s13 =	simm.s32 $0xC400  }
0x21: {  	[tilespmem:s13], [sflag:$0x2] =	stream.indirect.gather [hbm4b:s5+s11], $0x40, s17, s11, $0xb8;
	[tilespmem:$0x16400] =	vst v63  }
0x22: {  	s18 =	simm.s32 $0x200  }
0x23: {  	[tilespmem:s19], [sflag:$0x3] =	stream.indirect.gather [hbm4b:s5+s11], $0x40, s18, s11, $0xb8;
	[tilespmem:$0x16400] =	vst v63  }
0x24: {  	s20 =	simm.s32 $0x280;
	s13 =	simm.s32 $0x0  }
0x25: {  	[tilespmem:s21], [sflag:$0x3] =	stream.indirect.gather [hbm4b:s5+s11], $0x40, s20, s11, $0xb8;
	[tilespmem:$0x16400] =	vst v63  }
.LBB2_2:
0x26: {  	_ =	swait.ge [sflag:s22], $0x2000  }
0x27: {  	[sflag:s22] =	ssyncset.done $0x0  }
0x28: {  	[sflag:s22] =	ssyncadd.s32 $0xFFFFE000  }
0x29: {  	_ =	swait.ge [sflag:s22], $0x2000  }
0x2a: {  	[sflag:s22] =	ssyncset.done $0x0  }
0x2b: {  	s14 =	simm.s32 $0x0;
	[sflag:s22] =	ssyncadd.s32 $0xFFFFE000  }
0x2c: {  	v0 =	vld [tilespmem:s14+$0x6400]  }
0x2d: {  	v2 =	vld [tilespmem:s14+$0x6410]  }
0x2e: {  	s16 =	simm.s32 $0x100;
	v1 =	vld [tilespmem:s14+$0x6420]  }
.LBB2_3:
0x2f: {  	p0 =	sne.s32 s16, $0xFF00;
	v3 =	vld [tilespmem:s14+$0x6430];
	_ =	sdelay $0x1  }
0x30: {  	v0 =	vmul.f32 $8.000000000e+00, v0  }
.Ltmp2:
0x31: {  	v2 =	vmul.f32 $8.000000000e+00, v2;
	(pc) =	sbr.rel @p0 .LBB2_3-.Ltmp2, $4  }
0x32: {  	s17 =	sshra.s32 s16, $0x2;
	[tilespmem:s14+$0x6400] =	vst v0;
	v1 =	vmul.f32 $8.000000000e+00, v1  }
0x33: {  	v0 =	vld [tilespmem:s17+$0x6400];
	[tilespmem:s14+$0x6410] =	vst v2;
	v3 =	vmul.f32 $8.000000000e+00, v3  }
0x34: {  	v2 =	vld [tilespmem:s17+$0x6410];
	[tilespmem:s14+$0x6420] =	vst v1  }
0x35: {  	s16 =	sadd.s32 $0x100, s16;
	v1 =	vld [tilespmem:s17+$0x6420];
	[tilespmem:s14+$0x6430] =	vst v3;
	s14 =	smov.u32 s17  }
0x36: {  	v3 =	vld [tilespmem:s14+$0x6430];
	_ =	sdelay $0x1  }
0x37: {  	v0 =	vmul.f32 $8.000000000e+00, v0  }
0x38: {  	v2 =	vmul.f32 $8.000000000e+00, v2  }
0x39: {  	s16 =	sshll.u32 s13, $0x10;
	[tilespmem:s14+$0x6400] =	vst v0;
	v0 =	vmul.f32 $8.000000000e+00, v1  }
0x3a: {  	s17 =	sadd.s32 s4, s16;
	[tilespmem:s14+$0x6410] =	vst v2;
	v1 =	vmul.f32 $8.000000000e+00, v3  }
0x3b: {  	s17 =	sshrl.u32 s17, $0x3;
	[tilespmem:s14+$0x6420] =	vst v0  }
0x3c: {  	p0 =	seq.s32 s13, $0x0;
	s17 =	sadd.s32 s2, s17;
	[tilespmem:s14+$0x6430] =	vst v1  }
0x3d: {  	[hbm4b:s17+s3] =	stream.linear.scatter [tilespmem:s12], [sflag:$0x5], $0x4000, $0x38;
	[tilespmem:$0x16400] =	vst v63  }
0x3e: {  	s18 =	sshll.u32 s13, $0x2;
	s17 =	simm.s32 @!p0 $0x8  }
0x3f: {  	s14 =	sor.u32 $0x3, s18;
	_ =	swait.ge @!p0 [sflag:s17], $0x4000  }
0x40: {  	s18 =	sshll.u32 s14, $0x8;
	[sflag:s17] =	ssyncset.done @!p0 $0x0  }
0x41: {  	s20 =	sand.u32 $0x3FFFFF00, s18;
	[sflag:s17] =	ssyncadd.s32 @!p0 $0xFFFFC000  }
0x42: {  	[tilespmem:s23], [sflag:$0x4] =	stream.indirect.gather [hbm4b:s5+s11], $0x40, s20, s11, $0xb8;
	[tilespmem:$0x16400] =	vst v63  }
0x43: {  	s17 =	sor.u32 $0x80, s20  }
0x44: {  	[tilespmem:s24], [sflag:$0x4] =	stream.indirect.gather [hbm4b:s5+s11], $0x40, s17, s11, $0xb8;
	[tilespmem:$0x16400] =	vst v63  }
0x45: {  	_ =	swait.ge [sflag:s25], $0x2000  }
0x46: {  	[sflag:s25] =	ssyncset.done $0x0  }
0x47: {  	[sflag:s25] =	ssyncadd.s32 $0xFFFFE000  }
0x48: {  	_ =	swait.ge [sflag:s25], $0x2000  }
0x49: {  	[sflag:s25] =	ssyncset.done $0x0  }
0x4a: {  	s17 =	simm.s32 $0xFFFFC000;
	[sflag:s25] =	ssyncadd.s32 $0xFFFFE000  }
0x4b: {  	v0 =	vld [tilespmem:s17+$0xE400]  }
0x4c: {  	v2 =	vld [tilespmem:s17+$0xE410]  }
0x4d: {  	s18 =	simm.s32 $0xFFFF0100;
	v1 =	vld [tilespmem:s17+$0xE420]  }
.LBB2_5:
0x4e: {  	p0 =	sne.s32 s18, $0xFFFFFF00;
	v3 =	vld [tilespmem:s17+$0xE430];
	_ =	sdelay $0x1  }
0x4f: {  	v0 =	vmul.f32 $8.000000000e+00, v0  }
.Ltmp3:
0x50: {  	v2 =	vmul.f32 $8.000000000e+00, v2;
	(pc) =	sbr.rel @p0 .LBB2_5-.Ltmp3, $4  }
0x51: {  	s20 =	sshra.s32 s18, $0x2;
	[tilespmem:s17+$0xE400] =	vst v0;
	v1 =	vmul.f32 $8.000000000e+00, v1  }
0x52: {  	v0 =	vld [tilespmem:s20+$0xE400];
	[tilespmem:s17+$0xE410] =	vst v2;
	v3 =	vmul.f32 $8.000000000e+00, v3  }
0x53: {  	v2 =	vld [tilespmem:s20+$0xE410];
	[tilespmem:s17+$0xE420] =	vst v1  }
0x54: {  	s18 =	sadd.s32 $0x100, s18;
	v1 =	vld [tilespmem:s20+$0xE420];
	[tilespmem:s17+$0xE430] =	vst v3;
	s17 =	smov.u32 s20  }
0x55: {  	v3 =	vld [tilespmem:s17+$0xE430];
	_ =	sdelay $0x1  }
0x56: {  	v0 =	vmul.f32 $8.000000000e+00, v0  }
0x57: {  	v2 =	vmul.f32 $8.000000000e+00, v2  }
0x58: {  	[tilespmem:s17+$0xE400] =	vst v0;
	v0 =	vmul.f32 $8.000000000e+00, v1  }
0x59: {  	s18 =	sadd.s32 s16, s7;
	[tilespmem:s17+$0xE410] =	vst v2;
	v1 =	vmul.f32 $8.000000000e+00, v3  }
0x5a: {  	s18 =	sshrl.u32 s18, $0x3;
	[tilespmem:s17+$0xE420] =	vst v0  }
0x5b: {  	p0 =	seq.s32 s13, $0x18;
	s20 =	sadd.s32 s2, s18;
	[tilespmem:s17+$0xE430] =	vst v1  }
0x5c: {  	[hbm4b:s20+s3] =	stream.linear.scatter [tilespmem:s15], [sflag:$0x6], $0x4000, $0x38;
	[tilespmem:$0x16400] =	vst v63  }
0x5d: {  	s17 =	sshll.u32 @!p0 s13, $0xA;
	_ =	swait.ge [sflag:s26], $0x4000  }
0x5e: {  	s6 =	simm.s32 @!p0 $0x6400;
	s17 =	sand.u32 @!p0 $0x3FFFFC00, s17;
	[sflag:s26] =	ssyncset.done $0x0  }
0x5f: {  	s20 =	simm.s32 @!p0 $0x80;
	s18 =	sadd.s32 @!p0 $0x400, s17;
	[sflag:s26] =	ssyncadd.s32 $0xFFFFC000  }
0x60: {  	[tilespmem:s6], [sflag:$0x1] =	stream.indirect.gather @!p0 [hbm4b:s5+s20], $0x40, s18, s20, $0xb8;
	[tilespmem:$0x16400] =	vst v63  }
0x61: {  	s6 =	sadd.s32 @!p0 $0x480, s17;
	s18 =	simm.s32 @!p0 $0x8400  }
0x62: {  	[tilespmem:s18], [sflag:$0x1] =	stream.indirect.gather @!p0 [hbm4b:s5+s20], $0x40, s6, s20, $0xb8;
	[tilespmem:$0x16400] =	vst v63  }
0x63: {  	_ =	swait.ge [sflag:s28], $0x2000  }
0x64: {  	[sflag:s28] =	ssyncset.done $0x0  }
0x65: {  	[sflag:s28] =	ssyncadd.s32 $0xFFFFE000  }
0x66: {  	_ =	swait.ge [sflag:s28], $0x2000  }
0x67: {  	[sflag:s28] =	ssyncset.done $0x0  }
0x68: {  	s18 =	simm.s32 $0xFFFFC000;
	[sflag:s28] =	ssyncadd.s32 $0xFFFFE000  }
0x69: {  	v0 =	vld [tilespmem:s18+$0x12400]  }
0x6a: {  	v2 =	vld [tilespmem:s18+$0x12410]  }
0x6b: {  	s20 =	simm.s32 $0xFFFF0100;
	v1 =	vld [tilespmem:s18+$0x12420]  }
.LBB2_7:
0x6c: {  	p1 =	sne.s32 s20, $0xFFFFFF00;
	v3 =	vld [tilespmem:s18+$0x12430];
	_ =	sdelay $0x1  }
0x6d: {  	v0 =	vmul.f32 $8.000000000e+00, v0  }
.Ltmp4:
0x6e: {  	v2 =	vmul.f32 $8.000000000e+00, v2;
	(pc) =	sbr.rel @p1 .LBB2_7-.Ltmp4, $4  }
0x6f: {  	s6 =	sshra.s32 s20, $0x2;
	[tilespmem:s18+$0x12400] =	vst v0;
	v1 =	vmul.f32 $8.000000000e+00, v1  }
0x70: {  	v0 =	vld [tilespmem:s6+$0x12400];
	[tilespmem:s18+$0x12410] =	vst v2;
	v3 =	vmul.f32 $8.000000000e+00, v3  }
0x71: {  	v2 =	vld [tilespmem:s6+$0x12410];
	[tilespmem:s18+$0x12420] =	vst v1  }
0x72: {  	s20 =	sadd.s32 $0x100, s20;
	v1 =	vld [tilespmem:s6+$0x12420];
	[tilespmem:s18+$0x12430] =	vst v3;
	s18 =	smov.u32 s6  }
0x73: {  	v3 =	vld [tilespmem:s18+$0x12430];
	_ =	sdelay $0x1  }
0x74: {  	v0 =	vmul.f32 $8.000000000e+00, v0  }
0x75: {  	v2 =	vmul.f32 $8.000000000e+00, v2  }
0x76: {  	[tilespmem:s18+$0x12400] =	vst v0;
	v0 =	vmul.f32 $8.000000000e+00, v1  }
0x77: {  	s6 =	sadd.s32 s16, s8;
	[tilespmem:s18+$0x12410] =	vst v2;
	v1 =	vmul.f32 $8.000000000e+00, v3  }
0x78: {  	s6 =	sshrl.u32 s6, $0x3;
	[tilespmem:s18+$0x12420] =	vst v0  }
0x79: {  	s6 =	sadd.s32 s2, s6;
	[tilespmem:s18+$0x12430] =	vst v1  }
0x7a: {  	[hbm4b:s6+s3] =	stream.linear.scatter [tilespmem:s19], [sflag:$0x7], $0x4000, $0x38;
	[tilespmem:$0x16400] =	vst v63  }
0x7b: {  	_ =	swait.ge [sflag:s29], $0x4000  }
0x7c: {  	s16 =	simm.s32 @!p0 $0x80;
	[sflag:s29] =	ssyncset.done $0x0  }
0x7d: {  	s18 =	simm.s32 @!p0 $0xA400;
	s6 =	sadd.s32 @!p0 $0x500, s17;
	[sflag:s29] =	ssyncadd.s32 $0xFFFFC000  }
0x7e: {  	[tilespmem:s18], [sflag:$0x2] =	stream.indirect.gather @!p0 [hbm4b:s5+s16], $0x40, s6, s16, $0xb8;
	[tilespmem:$0x16400] =	vst v63  }
0x7f: {  	s6 =	sadd.s32 @!p0 $0x580, s17;
	s17 =	simm.s32 @!p0 $0xC400  }
0x80: {  	[tilespmem:s17], [sflag:$0x2] =	stream.indirect.gather @!p0 [hbm4b:s5+s16], $0x40, s6, s16, $0xb8;
	[tilespmem:$0x16400] =	vst v63  }
0x81: {  	_ =	swait.ge [sflag:s30], $0x2000  }
0x82: {  	[sflag:s30] =	ssyncset.done $0x0  }
0x83: {  	[sflag:s30] =	ssyncadd.s32 $0xFFFFE000  }
0x84: {  	_ =	swait.ge [sflag:s30], $0x2000  }
0x85: {  	[sflag:s30] =	ssyncset.done $0x0  }
0x86: {  	s16 =	simm.s32 $0xFFFFC000;
	[sflag:s30] =	ssyncadd.s32 $0xFFFFE000  }
0x87: {  	v0 =	vld [tilespmem:s16+$0x16400]  }
0x88: {  	v2 =	vld [tilespmem:s16+$0x16410]  }
0x89: {  	s17 =	simm.s32 $0xFFFF0100;
	v1 =	vld [tilespmem:s16+$0x16420]  }
.LBB2_9:
0x8a: {  	p1 =	sne.s32 s17, $0xFFFFFF00;
	v3 =	vld [tilespmem:s16+$0x16430];
	_ =	sdelay $0x1  }
0x8b: {  	v0 =	vmul.f32 $8.000000000e+00, v0  }
.Ltmp5:
0x8c: {  	v2 =	vmul.f32 $8.000000000e+00, v2;
	(pc) =	sbr.rel @p1 .LBB2_9-.Ltmp5, $4  }
0x8d: {  	s6 =	sshra.s32 s17, $0x2;
	[tilespmem:s16+$0x16400] =	vst v0;
	v1 =	vmul.f32 $8.000000000e+00, v1  }
0x8e: {  	v0 =	vld [tilespmem:s6+$0x16400];
	[tilespmem:s16+$0x16410] =	vst v2;
	v3 =	vmul.f32 $8.000000000e+00, v3  }
0x8f: {  	v2 =	vld [tilespmem:s6+$0x16410];
	[tilespmem:s16+$0x16420] =	vst v1  }
0x90: {  	s17 =	sadd.s32 $0x100, s17;
	v1 =	vld [tilespmem:s6+$0x16420];
	[tilespmem:s16+$0x16430] =	vst v3;
	s16 =	smov.u32 s6  }
0x91: {  	v3 =	vld [tilespmem:s16+$0x16430];
	_ =	sdelay $0x1  }
0x92: {  	v0 =	vmul.f32 $8.000000000e+00, v0  }
0x93: {  	v2 =	vmul.f32 $8.000000000e+00, v2  }
0x94: {  	s6 =	sshll.u32 s14, $0xE;
	[tilespmem:s16+$0x16400] =	vst v0;
	v62 =	vmul.f32 $8.000000000e+00, v1  }
0x95: {  	s6 =	sadd.s32 s4, s6;
	[tilespmem:s16+$0x16410] =	vst v2;
	v63 =	vmul.f32 $8.000000000e+00, v3  }
0x96: {  	s6 =	sshrl.u32 s6, $0x3;
	[tilespmem:s16+$0x16420] =	vst v62  }
.Ltmp6:
0x97: {  	s6 =	sadd.s32 s2, s6;
	[tilespmem:s16+$0x16430] =	vst v63;
	(pc) =	sbr.rel @p0 .LBB2_12-.Ltmp6, $4  }
0x98: {  	[hbm4b:s6+s3] =	stream.linear.scatter [tilespmem:s23], [sflag:$0x8], $0x4000, $0x38;
	[tilespmem:$0x16400] =	vst v63  }
0x99: {  	_ =	swait.ge [sflag:s31], $0x4000  }
0x9a: {  	[sflag:s31] =	ssyncset.done $0x0  }
0x9b: {  	[sflag:s31] =	ssyncadd.s32 $0xFFFFC000  }
0x9c: {  	s6 =	sshll.u32 s13, $0xA  }
.Ltmp7:
0x9d: {  	s6 =	sand.u32 $0x3FFFFC00, s6;
	(pc) =	sbr.rel .LBB2_2-.Ltmp7, $4  }
0x9e: {  	s14 =	sadd.s32 $0x600, s6  }
0x9f: {  	[tilespmem:s19], [sflag:$0x3] =	stream.indirect.gather [hbm4b:s5+s11], $0x40, s14, s11, $0xb8;
	[tilespmem:$0x16400] =	vst v63  }
0xa0: {  	s13 =	sadd.s32 $0x1, s13;
	s6 =	sadd.s32 $0x680, s6  }
0xa1: {  	[tilespmem:s21], [sflag:$0x3] =	stream.indirect.gather [hbm4b:s5+s11], $0x40, s6, s11, $0xb8;
	[tilespmem:$0x16400] =	vst v63  }
.LBB2_13:
0xa2: {  	_ =	sfence.sel $0x180000  }
0xa3: {  	[bflag:$0x0] =	sbarrier.arrive $0xFFFF  }
0xa4: {  	_ =	strace $0x90000047  }
0xa5: {  	s0 =	stileid.u32;
	[bflag:$0x2] =	sbarrier.arrive $0xFFFF  }
0xa6: {  	p0 =	sne.s32 s0, $0x0;
	s0 =	rddreg [dreg:$0x2]  }
0xa7: {  	s0 =	sadd.s32 @!p0 $0x100000, s0  }
0xa8: {  	[sflag:s0] =	ssyncadd.tile.s32 @!p0 $0x1;
	_ =	shalt  }
.Lfunc_end2:
_tile_overlayer_lowered:
.L_overlay_start_2:
0xa9: {  	(tag) =	ssettag $0x2  }
0xaa: {  	s0 =	rddreg [dreg:$0x0];
	s2 =	stileid.u32  }
0xab: {  	s1 =	rddreg [dreg:$0x1];
	p0 =	sne.s32 s2, $0x0  }
0xac: {  	s3 =	rddreg [dreg:$0x2];
	[bflag:$0x3] =	sbarrier.arrive $0xFFFF;
	s2 =	simm.s32 @!p0 $0x1C09  }
0xad: {  	[timem:s3], [sflag:s2] =	dma.local @!p0 [hbm:s0], s1  }
0xae: {  	s0 =	simm.s32 @!p0 $0x9  }
0xaf: {  	_ =	swait.ge @!p0 [sflag:s0], s1  }
0xb0: {  	s1 =	ssub.s32 @!p0 $0x0, s1;
	[sflag:s0] =	ssyncset.done @!p0 $0x0  }
0xb1: {  	[sflag:s0] =	ssyncadd.s32 @!p0 s1  }
0xb2: {  	[bflag:$0x3] =	sbarrier.arrive $0xFFFF  }
0xb3: {  	_ =	shalt  }

// kernel: sparse-core-data-format-call.cloned.1.call-start
scs
called_computation_lowered:
.L_overlay_start_0:
0x0: {  	s2 =	sld [smem:$0x3FD9]  }
0x1: {  	s3 =	sld [smem:$0x3FFE];
	_ =	sdelay $0x1  }
0x2: {  	s1 =	srdreg.scid  }
0x3: {  	s0 =	sand.u32 $0x1, s1  }
0x4: {  	s18 =	sshll.u32 s0, $0xA;
	s2 =	sadd.s32 s3, s2  }
0x5: {  	s2 =	sadd.s32 s2, s18  }
0x6: {  	[smem:$0x3FC6] =	sst s2  }
0x7: {  	_ = 	snop  }
0x8: {  	s2 =	sld [smem:$0x3FD0];
	(tm) =	ssettm $0x1  }
0x9: {  	s19 =	sld [smem:$0x3FFB];
	_ =	sdelay $0x3  }
0xa: {  	_ =	strace s19  }
0xb: {  	s3 =	sld [smem:$0x3FFC];
	_ =	sdelay $0x3  }
0xc: {  	_ =	strace s3  }
0xd: {  	s3 =	sld [smem:$0x3FFD];
	_ =	sdelay $0x3  }
0xe: {  	_ =	strace s3  }
0xf: {  	_ =	strace $0x8FFFFFFF  }
0x10: {  	s20 =	sld [smem:$0x3FDB];
	_ =	sdelay $0x1  }
0x11: {  	s4 =	simm.s32 $_scs_section_size  }
0x12: {  	s5 =	simm.s32 $_size__tile_overlayer_lowered;
	s6 =	simm.s32 $_tile_overlayer_lowered  }
0x13: {  	s23 =	simm.s32 $0x1BFF;
	s22 =	sshll.u32 s6, $0x1;
	s3 =	sadd.s32 s4, s20  }
0x14: {  	s7 =	simm.s32 $0x0;
	s21 =	sshll.u32 s5, $0x1;
	s5 =	sadd.s32 s22, s3  }
0x15: {  	[timem:s7], [sflag:s23] =	dma.local [hbm:s5], s21  }
0x16: {  	_ =	swait.ge [sflag:s23], s21  }
0x17: {  	s4 =	ssub.s32 $0x0, s21;
	[sflag:s23] =	ssyncset.done $0x0  }
0x18: {  	[sflag:s23] =	ssyncadd.s32 s4;
	_ =	sdelay $0x1  }
0x19: {  	s24 =	simm.s32 $0x1B8B  }
0x1a: {  	_ =	swait.ge [sflag:s24], $0x1  }
0x1b: {  	[sflag:s24] =	ssyncset.done $0x0  }
0x1c: {  	s26 =	simm.s32 $0x1B8E;
	s25 =	sld [smem:$0x3FFE];
	[sflag:s24] =	ssyncadd.s32 $0xFFFFFFFF  }
0x1d: {  	s27 =	simm.s32 $execute0_lowered;
	[smem:$0x3FD2] =	sst s26  }
0x1e: {  	s5 =	sshll.u32 s27, $0x1;
	_ =	strace $0x80000049;
	[dreg:$0x1] =	wrdreg $0xFFFFFFFF  }
0x1f: {  	s28 =	simm.s32 $_size_execute0_lowered;
	s3 =	sadd.s32 s3, s5;
	[dreg:$0x0] =	wrdreg $0x0  }
0x20: {  	s5 =	sshll.u32 s28, $0x1;
	[dreg:$0x2] =	wrdreg s3  }
0x21: {  	[dreg:$0x3] =	wrdreg s5  }
0x22: {  	[dreg:$0x4] =	wrdreg $0xC0  }
0x23: {  	_ =	task [dreg:s7], $0x5FFFF  }
0x24: {  	[dreg:$0x1] =	wrdreg $0xFFFFFFFF  }
0x25: {  	[dreg:$0x0] =	wrdreg $0x60  }
0x26: {  	[dreg:$0x2] =	wrdreg s25  }
0x27: {  	[dreg:$0x3] =	wrdreg s2  }
0x28: {  	[dreg:$0x4] =	wrdreg $0x9  }
0x29: {  	_ =	task.clear_ibuf [dreg:s7], $0x5FFFF;
	_ =	strace $0x90000049  }
0x2a: {  	s29 =	simm.s32 $0x9;
	_ =	strace $0x8000004B  }
0x2b: {  	_ =	swait.ge [sflag:s29], $0x1  }
0x2c: {  	[sflag:s29] =	ssyncadd.s32 $0xFFFFFFFF  }
0x2d: {  	_ =	strace $0x9000004B  }
0x2e: {  	_ =	sfence  }
0x2f: {  	s30 =	sld [smem:$0x0];
	_ =	sdelay $0x2  }
0x30: {  	s31 =	sshll.u32 s1, $0xD;
	s1 =	sshrl.u32 s1, $0x2  }
0x31: {  	s3 =	sand.u32 $0x4000, s31;
	s1 =	sadd.s32 s1, s30  }
0x32: {  	s0 =	sor.u32 s3, s0;
	s1 =	sshll.u32 s1, $0x11  }
0x33: {  	s0 =	sor.u32 s1, s0  }
0x34: {  	s0 =	sadd.s32 $0x8F2B, s0  }
0x35: {  	[sflag:s0] =	ssyncadd.remote.s32 $0x1  }
0x36: {  	_ =	sfence.sel $0xFFFF  }
0x37: {  	[dreg:$0x0] =	wrdreg $0xFFFFFFFF;
	(pc) =	sbr.abs _section_cstart, $3  }
0x38: {  	[dreg:$0x1] =	wrdreg $0xFFFFFFFF  }
0x39: {  	_ =	task.clear_ibuf [dreg:s7], $0x2FFFF;
	_ =	strace $0x9FFFFFFF  }
0x3a: {  	(tm) =	ssettm $0x7FFFFFFF  }
0x3b: {  	_ =	shalt  }
tec
execute0_lowered:
.L_overlay_start_1:
0x0: {  	(tag) =	ssettag $0x1  }
0x1: {  	s0 =	srdreg.scid  }
0x2: {  	s1 =	sshll.u32 s0, $0x4  }
0x3: {  	s5 =	rddreg [dreg:$0x0];
	s0 =	stileid.u32;
	s1 =	sand.u32 $0x10, s1  }
0x4: {  	s3 =	rddreg [dreg:$0x1];
	s31 =	simm.s32 $0x2;
	s4 =	sor.u32 s0, s1  }
0x5: {  	s13 =	simm.s32 $0x0;
	s9 =	simm.s32 $0x400;
	s2 =	sshll.u32 s4, $0x7  }
0x6: {  	s10 =	simm.s32 $0x8000;
	s14 =	simm.s32 $0x0;
	s6 =	ssub.s32 $0x1000, s2  }
0x7: {  	s1 =	rddreg [dreg:$0x2];
	_ =	strace $0x8000004A;
	s7 =	sand.u32 $0xF80, s6  }
0x8: {  	s4 =	sshll.u32 s4, $0xB;
	p0 =	sne.s32 s7, $0x0;
	s7 =	simm.s32 $0x1  }
.Ltmp0:
0x9: {  	s6 =	sshrl.u32 s6, $0xC;
	s7 =	simm.s32 @!p0 $0x0;
	(pc) =	sbr.rel .LBB1_1-.Ltmp0, $4  }
0xa: {  	s8 =	sadd.s32 s4, s5;
	s4 =	simm.s32 $0x1;
	s30 =	sadd.s32 s7, s6  }
0xb: {  	s11 =	simm.s32 $0x0;
	[sflag:s4] =	ssyncpa.u1 $0x0;
	s5 =	smul.u32 $0x64, s30  }
0xc: {  	s12 =	simm.s32 $0x0;
	[sflag:s31] =	ssyncpa.u1 $0x0;
	p0 =	por $0x0, $0x0  }
0xd: {  	s6 =	sadd.s32 $0xA00, s8;
	s7 =	sadd.s32 $0x10A00, s8;
	s8 =	sor.u32 $0x1, s5  }
.LBB1_7:
0xe: {  	s15 =	sadd.s32 $0x2, s11  }
0xf: {  	p2 =	sgt.s32 s15, $0xC7  }
0x10: {  	s15 =	simm.s32 @p2 $0x0;
	p2 =	sne.s32 s12, s8  }
.Ltmp1:
0x11: {  	p1 =	slt.u32 s12, $0x2;
	(pc) =	sbr.rel @!p2 .LBB1_8-.Ltmp1, $4  }
0x12: {  	s13 =	simm.s32 @!p1 $0x2  }
0x13: {  	s16 =	sadd.s32 $0x1, s12;
	s14 =	smov.u32 s11;
	_ =	swait.ge @!p1 [sflag:s13], $0x4000  }
0x14: {  	p0 =	por !p0, !p0;
	s12 =	smov.u32 s16;
	[sflag:s13] =	ssyncset.done @!p1 $0x0  }
0x15: {  	s11 =	smov.u32 s15;
	[sflag:s13] =	ssyncadd.s32 @!p1 $0xFFFFC000;
	s13 =	smov.u32 s2  }
.LBB1_1:
0x16: {  	p1 =	sge.u32 s12, s5  }
0x17: {  	s15 =	sxor.u32 @!p1 $0xFFFFFFFF, s12  }
0x18: {  	s16 =	sshll.u32 @!p1 s11, $0x10;
	s18 =	simm.s32 @!p1 $0x40;
	s15 =	sshll.u32 @!p1 s15, $0xE  }
0x19: {  	s19 =	simm.s32 @!p1 $0x80;
	s17 =	sadd.s32 @!p1 s16, s6;
	s15 =	sand.u32 @!p1 $0x4000, s15  }
0x1a: {  	[tilespmem:s15], [sflag:$0x1] =	stream.strided.gather @!p1 [hbm4b:s17+s18], $0x2000, s19, s18, $0x38;
	[tilespmem:$0x10100] =	vst v63  }
0x1b: {  	s31 =	sadd.s32 $0xFFFFFFFF, s12;
	s16 =	sadd.s32 @!p1 s16, s7;
	s15 =	sor.u32 @!p1 $0x2000, s15  }
0x1c: {  	[tilespmem:s15], [sflag:$0x1] =	stream.strided.gather @!p1 [hbm4b:s16+s18], $0x2000, s19, s18, $0x38;
	[tilespmem:$0x10100] =	vst v63  }
0x1d: {  	p1 =	sge.u32 s31, s5  }
.Ltmp2:
0x1e: {  	_ = 	snop;
	(pc) =	sbr.rel @p1 .LBB1_7-.Ltmp2, $1  }
0x1f: {  	_ =	sdelay $0x3  }
0x20: {  	s15 =	simm.s32 $0x1;
	s17 =	sand.u32 $0x1, s12  }
0x21: {  	_ =	swait.ge [sflag:s4], $0x4000;
	s15 =	simm.s32 @!p0 $0x0;
	s17 =	smul.u32 $0x10200, s17  }
0x22: {  	p2 =	por $0x1, $0x1;
	[sflag:s4] =	ssyncset.done $0x0;
	s16 =	smul.u32 $0x10200, s15  }
0x23: {  	s18 =	sshll.u32 s15, $0x10;
	[sflag:s4] =	ssyncadd.s32 $0xFFFFC000;
	s30 =	sshrl.u32 s17, $0x2  }
0x24: {  	s31 =	sshrl.u32 s18, $0x2;
	s18 =	simm.s32 $0x0;
	s16 =	sshrl.u32 s16, $0x2  }
0x25: {  	s15 =	sor.u32 $0x8000, s30;
	s17 =	sadd.s32 $0x20, s31;
	s16 =	sor.u32 $0x8000, s16  }
.LBB1_3:
0x26: {  	s19 =	sshll.u32 s18, $0xD  }
0x27: {  	s19 =	sand.u32 $0x3FFFE000, s19  }
0x28: {  	s21 =	sadd.s32 s19, s17  }
0x29: {  	s31 =	smul.u32 $0x8100, s18;
	v3 =	vld [tilespmem:s21+$0x10]  }
0x2a: {  	v1 =	vld [tilespmem:s21+$0xFFFFFFF0]  }
0x2b: {  	s18 =	sshra.s32 s31, $0x2;
	v0 =	vld [tilespmem:s21+$0x0]  }
0x2c: {  	s18 =	sadd.s32 s18, s16;
	v2 =	vld [tilespmem:s21+$0xFFFFFFE0]  }
0x2d: {  	s19 =	sadd.s32 $0x0, s18  }
0x2e: {  	p1 =	por p2, p2;
	s20 =	simm.s32 $0x4;
	s21 =	sadd.s32 $0x40, s21;
	[tilespmem:s19+$0x1830 ss:$0x81] =	vst.msk $0xffff, v3  }
.LBB1_4:
0x2f: {  	v3 =	vld [tilespmem:s21+$0x10];
	p2 =	sne.s32 s20, $0x1FC;
	[tilespmem:s19+$0x810 ss:$0x81] =	vst.msk $0xffff, v1;
	s22 =	smov.u32 s20;
	s20 =	sadd.s32 $0x4, s20  }
.Ltmp3:
0x30: {  	v1 =	vld [tilespmem:s21+$0xFFFFFFF0];
	[tilespmem:s19+$0x1020 ss:$0x81] =	vst.msk $0xffff, v0;
	(pc) =	sbr.rel @p2 .LBB1_4-.Ltmp3, $4  }
0x31: {  	v0 =	vld [tilespmem:s21+$0x0];
	[tilespmem:s19+$0x0 ss:$0x81] =	vst.msk $0xffff, v2  }
0x32: {  	s19 =	sshra.s32 s22, $0x2;
	v2 =	vld [tilespmem:s21+$0xFFFFFFE0]  }
0x33: {  	s19 =	sadd.s32 s19, s18  }
0x34: {  	s21 =	sadd.s32 $0x40, s21;
	[tilespmem:s19+$0x1830 ss:$0x81] =	vst.msk $0xffff, v3  }
.Ltmp4:
0x35: {  	(pc) =	sbr.rel @p1 .LBB1_3-.Ltmp4, $4  }
0x36: {  	_ = 	snop  }
0x37: {  	[tilespmem:s19+$0x810 ss:$0x81] =	vst.msk $0xffff, v1  }
0x38: {  	[tilespmem:s19+$0x1020 ss:$0x81] =	vst.msk $0xffff, v0  }
0x39: {  	s18 =	simm.s32 $0x1;
	p2 =	por $0x0, $0x0;
	[tilespmem:s19+$0x0 ss:$0x81] =	vst.msk $0xffff, v2  }
.Ltmp5:
0x3a: {  	(pc) =	sbr.rel .LBB1_7-.Ltmp5, $4  }
0x3b: {  	s14 =	sshll.u32 s14, $0xF  }
0x3c: {  	s14 =	sadd.s32 s3, s14  }
0x3d: {  	s13 =	sadd.s32 s13, s14  }
0x3e: {  	[hbm4b:s13+s9] =	stream.strided.scatter [tilespmem:s15], [sflag:$0x2], $0x4000, s10, s9, $0x20;
	[tilespmem:$0x10100] =	vst v63  }
.LBB1_8:
0x3f: {  	_ =	sfence.sel $0x180000  }
0x40: {  	s2 =	simm.s32 $0x1;
	[bflag:$0x0] =	sbarrier.arrive $0xFFFF  }
0x41: {  	s31 =	simm.s32 $0x2;
	[sflag:s2] =	ssyncpa.u1 $0x1  }
0x42: {  	[sflag:s31] =	ssyncpa.u1 $0x1  }
0x43: {  	p0 =	sne.s32 s0, $0x0;
	_ =	strace $0x9000004A  }
0x44: {  	s0 =	sadd.s32 @!p0 $0x100000, s1;
	[bflag:$0x2] =	sbarrier.arrive $0xFFFF  }
0x45: {  	[sflag:s0] =	ssyncadd.tile.s32 @!p0 $0x1;
	_ =	shalt  }
.Lfunc_end1:
_tile_overlayer_lowered:
.L_overlay_start_2:
0x46: {  	(tag) =	ssettag $0x2  }
0x47: {  	s0 =	rddreg [dreg:$0x0];
	s2 =	stileid.u32  }
0x48: {  	s1 =	rddreg [dreg:$0x1];
	p0 =	sne.s32 s2, $0x0  }
0x49: {  	s3 =	rddreg [dreg:$0x2];
	[bflag:$0x3] =	sbarrier.arrive $0xFFFF;
	s2 =	simm.s32 @!p0 $0x1C01  }
0x4a: {  	[timem:s3], [sflag:s2] =	dma.local @!p0 [hbm:s0], s1  }
0x4b: {  	s0 =	simm.s32 @!p0 $0x1  }
0x4c: {  	_ =	swait.ge @!p0 [sflag:s0], s1  }
0x4d: {  	s1 =	ssub.s32 @!p0 $0x0, s1;
	[sflag:s0] =	ssyncset.done @!p0 $0x0  }
0x4e: {  	[sflag:s0] =	ssyncadd.s32 @!p0 s1  }
0x4f: {  	[bflag:$0x3] =	sbarrier.arrive $0xFFFF  }
0x50: {  	_ =	shalt  }

</sc_bundles>
